<compile_context>
chip_gen: v7x
topology: tpu7x:2x2x1
jax: 0.10.2.dev20260603
libtpu: 0.0.44.dev20260713+nightly
codegen_flags: <defaults>
</compile_context>

<pallas_src>
import jax
import jax.numpy as jnp
from jax import lax
from jax.experimental import pallas as pl
from jax.experimental.pallas import tpu as pltpu
from jax.experimental.pallas import tpu_sc as plsc

BATCH = 16384
DIM = 64
OUT_DIM = 2 * DIM
SEASON_MAP = (0, 0, 1, 1, 1, 2, 2, 2, 3, 3, 3, 0)
NUM_CORES = 2
NUM_WORKERS = 32
B_PER_W = BATCH // NUM_WORKERS
LANES = 16
SEGS = 8
SEG_ROWS = B_PER_W // SEGS
HALF = SEGS // 2


def _body(month_hbm, w_month_hbm, w_season_hbm, out_hbm,
          wm_v, ws_v, fused_v, fused_sh, idx_v, out_v,
          sem_ix, sem_wm, sem_ws, sem_g0, sem_g1, sem_o):
    wid = lax.axis_index("s") * NUM_CORES + lax.axis_index("c")
    base = wid * B_PER_W

    cp_ix = pltpu.async_copy(month_hbm.at[pl.ds(base, B_PER_W)], idx_v, sem_ix)
    cp_wm = pltpu.async_copy(w_month_hbm, wm_v, sem_wm)
    cp_ws = pltpu.async_copy(w_season_hbm, ws_v, sem_ws)
    cp_wm.wait()
    cp_ws.wait()

    for m in range(12):
        s = SEASON_MAP[m]
        for j in range(DIM // LANES):
            fused_v[m, pl.ds(j * LANES, LANES)] = wm_v[m, pl.ds(j * LANES, LANES)]
            fused_v[m, pl.ds(DIM + j * LANES, LANES)] = ws_v[s, pl.ds(j * LANES, LANES)]

    @pl.when(lax.axis_index("s") == 0)
    def _():
        pltpu.sync_copy(fused_v, fused_sh)
    plsc.subcore_barrier()

    cp_ix.wait()

    half_sems = (sem_g0, sem_g1)
    gathers = [
        pltpu.async_copy(
            fused_sh.at[idx_v.at[pl.ds(k * SEG_ROWS, SEG_ROWS)]],
            out_v.at[pl.ds(k * SEG_ROWS, SEG_ROWS)],
            half_sems[k // HALF])
        for k in range(SEGS)
    ]
    writes = []
    for h in range(2):
        for k in range(h * HALF, (h + 1) * HALF):
            gathers[k].wait()
        for k in range(h * HALF, (h + 1) * HALF):
            writes.append(pltpu.async_copy(
                out_v.at[pl.ds(k * SEG_ROWS, SEG_ROWS)],
                out_hbm.at[pl.ds(base + k * SEG_ROWS, SEG_ROWS)],
                sem_o))
    for w in writes:
        w.wait()


@jax.jit
def _embed(month, w_month, w_season):
    mesh = plsc.VectorSubcoreMesh(core_axis_name="c", subcore_axis_name="s")
    f = pl.kernel(
        _body,
        out_type=jax.ShapeDtypeStruct((BATCH, OUT_DIM), jnp.float32),
        mesh=mesh,
        scratch_types=[
            pltpu.VMEM((12, DIM), jnp.float32),
            pltpu.VMEM((4, DIM), jnp.float32),
            pltpu.VMEM((12, OUT_DIM), jnp.float32),
            pltpu.VMEM_SHARED((12, OUT_DIM), jnp.float32),
            pltpu.VMEM((B_PER_W,), jnp.int32),
            pltpu.VMEM((B_PER_W, OUT_DIM), jnp.float32),
            pltpu.SemaphoreType.DMA,
            pltpu.SemaphoreType.DMA,
            pltpu.SemaphoreType.DMA,
            pltpu.SemaphoreType.DMA,
            pltpu.SemaphoreType.DMA,
            pltpu.SemaphoreType.DMA,
        ],
        compiler_params=pltpu.CompilerParams(needs_layout_passes=False),
    )
    return f(month, w_month, w_season)


def kernel(month, W_month, W_season):
    if month.ndim == 2:
        month = month.squeeze(-1)
    return _embed(month.astype(jnp.int32), W_month, W_season)

# --- scband reference (transcript-rebuilt; emitter-appended) ---
"""Pipeline reference for scband-wpu-qmonth-season-embedder-34892314312985 (READ-ONLY COPY).

The authoritative reference and input builder live on the scoring server;
editing this copy changes nothing except your own understanding.
"""

import jax, jax.numpy as jnp
import numpy as np

BATCH = 16384
DIM = 64
MONTH_TO_SEASON = jnp.array([0, 0, 1, 1, 1, 2, 2, 2, 3, 3, 3, 0], dtype=jnp.int32)


def setup_inputs(seed: int = 0) -> dict:
    key = jax.random.key(seed)
    k1, k2, k3 = jax.random.split(key, 3)
    month = jax.random.randint(k1, (BATCH,), 0, 12)
    W_month = jax.random.normal(k2, (12, DIM), dtype=jnp.float32) * 0.02
    W_season = jax.random.normal(k3, (4, DIM), dtype=jnp.float32) * 0.02
    return {"month": month, "W_month": W_month, "W_season": W_season}


def reference(month, W_month, W_season):
    # month may be [B] or [B, 1]; squeeze trailing dim if present
    if month.ndim == 2:
        month = month.squeeze(-1)
    month_emb = jnp.take(W_month, month, axis=0)
    season = jnp.take(MONTH_TO_SEASON, month, axis=0)
    season_emb = jnp.take(W_season, season, axis=0)
    return jnp.concatenate([month_emb, season_emb], axis=-1)

if __name__ == "__main__":
    import jax
    _d = setup_inputs()
    print(jax.jit(kernel)(*tuple(_d.values())))

</pallas_src>

<mosaic_0001>
#map = affine_map<(d0, d1) -> (0)>
#map1 = affine_map<(d0, d1) -> (0, 0)>
module attributes {stable_mosaic.version = 14 : i64} {
  func.func @_body(%arg0: i32, %arg1: i32, %arg2: memref<16384xi32, #tpu.memory_space<hbm>>, %arg3: memref<12x64xf32, #tpu.memory_space<hbm>>, %arg4: memref<4x64xf32, #tpu.memory_space<hbm>>, %arg5: memref<16384x128xf32, #tpu.memory_space<hbm>>, %arg6: memref<12x64xf32, #tpu.memory_space<vmem>>, %arg7: memref<4x64xf32, #tpu.memory_space<vmem>>, %arg8: memref<12x128xf32, #tpu.memory_space<vmem>>, %arg9: memref<12x128xf32, #tpu.memory_space<vmem_shared>>, %arg10: memref<512xi32, #tpu.memory_space<vmem>>, %arg11: memref<512x128xf32, #tpu.memory_space<vmem>>, %arg12: memref<!tpu.dma_semaphore, #tpu.memory_space<semaphore_mem>>, %arg13: memref<!tpu.dma_semaphore, #tpu.memory_space<semaphore_mem>>, %arg14: memref<!tpu.dma_semaphore, #tpu.memory_space<semaphore_mem>>, %arg15: memref<!tpu.dma_semaphore, #tpu.memory_space<semaphore_mem>>, %arg16: memref<!tpu.dma_semaphore, #tpu.memory_space<semaphore_mem>>, %arg17: memref<!tpu.dma_semaphore, #tpu.memory_space<semaphore_mem>>) attributes {dimension_semantics = [#tpu.dimension_semantics<core_parallel>, #tpu.dimension_semantics<subcore_parallel>], iteration_bounds = array<i64: 2, 16>, scalar_prefetch = 0 : i64, scratch_operands = 12 : i64, tpu.core_type = #tpu.core_type<sc_vector_subcore>, window_params = [{transform_indices = #map}, {transform_indices = #map1}, {transform_indices = #map1}, {transform_indices = #map1}]} {
    %mul3A = arith.constant 2 : i32
    %mul3A_0 = arith.muli %arg1, %mul3A : i32
    %add3A = arith.addi %mul3A_0, %arg0 : i32
    %mul3A_1 = arith.constant 512 : i32
    %mul3A_2 = arith.muli %add3A, %mul3A_1 : i32
    %dma_start3A = tpu.memref_slice %arg2[%mul3A_2] : memref<16384xi32, #tpu.memory_space<hbm>> -> memref<512xi32, #tpu.memory_space<hbm>>
    %dma_start3A_3 = tpu.memref_slice %arg2[%mul3A_2] : memref<16384xi32, #tpu.memory_space<hbm>> -> memref<512xi32, #tpu.memory_space<hbm>>
    tpu.enqueue_dma source(%dma_start3A_3 : memref<512xi32, #tpu.memory_space<hbm>>) target(%arg10 : memref<512xi32, #tpu.memory_space<vmem>>) target_semaphore(%arg12 : memref<!tpu.dma_semaphore, #tpu.memory_space<semaphore_mem>>)
    tpu.enqueue_dma source(%arg3 : memref<12x64xf32, #tpu.memory_space<hbm>>) target(%arg6 : memref<12x64xf32, #tpu.memory_space<vmem>>) target_semaphore(%arg13 : memref<!tpu.dma_semaphore, #tpu.memory_space<semaphore_mem>>)
    tpu.enqueue_dma source(%arg4 : memref<4x64xf32, #tpu.memory_space<hbm>>) target(%arg7 : memref<4x64xf32, #tpu.memory_space<vmem>>) target_semaphore(%arg14 : memref<!tpu.dma_semaphore, #tpu.memory_space<semaphore_mem>>)
    tpu.wait_dma2 semaphore(%arg13 : memref<!tpu.dma_semaphore, #tpu.memory_space<semaphore_mem>>) src(%arg3 : memref<12x64xf32, #tpu.memory_space<hbm>>) dst(%arg6 : memref<12x64xf32, #tpu.memory_space<vmem>>)
    tpu.wait_dma2 semaphore(%arg14 : memref<!tpu.dma_semaphore, #tpu.memory_space<semaphore_mem>>) src(%arg4 : memref<4x64xf32, #tpu.memory_space<hbm>>) dst(%arg7 : memref<4x64xf32, #tpu.memory_space<vmem>>)
    %get3A = arith.constant 0 : i32
    %get3A_4 = arith.index_cast %get3A : i32 to index
    %get3A_5 = arith.constant 0 : index
    %get3A_6 = tpu.vector_load %arg6[%get3A_4, %get3A_5] {strides = array<i32>} : memref<12x64xf32, #tpu.memory_space<vmem>>, vector<16xf32>,
    %swap3A = arith.constant 0 : i32
    %swap3A_7 = arith.index_cast %swap3A : i32 to index
    %swap3A_8 = arith.constant 0 : index
    %swap3A_9 = tpu.vector_load %arg8[%swap3A_7, %swap3A_8] {strides = array<i32>} : memref<12x128xf32, #tpu.memory_space<vmem>>, vector<16xf32>,
    tpu.vector_store %arg8[%swap3A_7, %swap3A_8], %get3A_6 {strides = array<i32>} : memref<12x128xf32, #tpu.memory_space<vmem>>, vector<16xf32>,
    %get3A_10 = arith.constant 0 : i32
    %get3A_11 = arith.index_cast %get3A_10 : i32 to index
    %get3A_12 = arith.constant 0 : index
    %get3A_13 = tpu.vector_load %arg7[%get3A_11, %get3A_12] {strides = array<i32>} : memref<4x64xf32, #tpu.memory_space<vmem>>, vector<16xf32>,
    %swap3A_14 = arith.constant 0 : i32
    %swap3A_15 = arith.index_cast %swap3A_14 : i32 to index
    %swap3A_16 = arith.constant 64 : index
    %swap3A_17 = tpu.vector_load %arg8[%swap3A_15, %swap3A_16] {strides = array<i32>} : memref<12x128xf32, #tpu.memory_space<vmem>>, vector<16xf32>,
    tpu.vector_store %arg8[%swap3A_15, %swap3A_16], %get3A_13 {strides = array<i32>} : memref<12x128xf32, #tpu.memory_space<vmem>>, vector<16xf32>,
    %get3A_18 = arith.constant 0 : i32
    %get3A_19 = arith.index_cast %get3A_18 : i32 to index
    %get3A_20 = arith.constant 16 : index
    %get3A_21 = tpu.vector_load %arg6[%get3A_19, %get3A_20] {strides = array<i32>} : memref<12x64xf32, #tpu.memory_space<vmem>>, vector<16xf32>,
    %swap3A_22 = arith.constant 0 : i32
    %swap3A_23 = arith.index_cast %swap3A_22 : i32 to index
    %swap3A_24 = arith.constant 16 : index
    %swap3A_25 = tpu.vector_load %arg8[%swap3A_23, %swap3A_24] {strides = array<i32>} : memref<12x128xf32, #tpu.memory_space<vmem>>, vector<16xf32>,
    tpu.vector_store %arg8[%swap3A_23, %swap3A_24], %get3A_21 {strides = array<i32>} : memref<12x128xf32, #tpu.memory_space<vmem>>, vector<16xf32>,
    %get3A_26 = arith.constant 0 : i32
    %get3A_27 = arith.index_cast %get3A_26 : i32 to index
    %get3A_28 = arith.constant 16 : index
    %get3A_29 = tpu.vector_load %arg7[%get3A_27, %get3A_28] {strides = array<i32>} : memref<4x64xf32, #tpu.memory_space<vmem>>, vector<16xf32>,
    %swap3A_30 = arith.constant 0 : i32
    %swap3A_31 = arith.index_cast %swap3A_30 : i32 to index
    %swap3A_32 = arith.constant 80 : index
    %swap3A_33 = tpu.vector_load %arg8[%swap3A_31, %swap3A_32] {strides = array<i32>} : memref<12x128xf32, #tpu.memory_space<vmem>>, vector<16xf32>,
    tpu.vector_store %arg8[%swap3A_31, %swap3A_32], %get3A_29 {strides = array<i32>} : memref<12x128xf32, #tpu.memory_space<vmem>>, vector<16xf32>,
    %get3A_34 = arith.constant 0 : i32
    %get3A_35 = arith.index_cast %get3A_34 : i32 to index
    %get3A_36 = arith.constant 32 : index
    %get3A_37 = tpu.vector_load %arg6[%get3A_35, %get3A_36] {strides = array<i32>} : memref<12x64xf32, #tpu.memory_space<vmem>>, vector<16xf32>,
    %swap3A_38 = arith.constant 0 : i32
    %swap3A_39 = arith.index_cast %swap3A_38 : i32 to index
    %swap3A_40 = arith.constant 32 : index
    %swap3A_41 = tpu.vector_load %arg8[%swap3A_39, %swap3A_40] {strides = array<i32>} : memref<12x128xf32, #tpu.memory_space<vmem>>, vector<16xf32>,
    tpu.vector_store %arg8[%swap3A_39, %swap3A_40], %get3A_37 {strides = array<i32>} : memref<12x128xf32, #tpu.memory_space<vmem>>, vector<16xf32>,
    %get3A_42 = arith.constant 0 : i32
    %get3A_43 = arith.index_cast %get3A_42 : i32 to index
    %get3A_44 = arith.constant 32 : index
    %get3A_45 = tpu.vector_load %arg7[%get3A_43, %get3A_44] {strides = array<i32>} : memref<4x64xf32, #tpu.memory_space<vmem>>, vector<16xf32>,
    %swap3A_46 = arith.constant 0 : i32
    %swap3A_47 = arith.index_cast %swap3A_46 : i32 to index
    %swap3A_48 = arith.constant 96 : index
    %swap3A_49 = tpu.vector_load %arg8[%swap3A_47, %swap3A_48] {strides = array<i32>} : memref<12x128xf32, #tpu.memory_space<vmem>>, vector<16xf32>,
    tpu.vector_store %arg8[%swap3A_47, %swap3A_48], %get3A_45 {strides = array<i32>} : memref<12x128xf32, #tpu.memory_space<vmem>>, vector<16xf32>,
    %get3A_50 = arith.constant 0 : i32
    %get3A_51 = arith.index_cast %get3A_50 : i32 to index
    %get3A_52 = arith.constant 48 : index
    %get3A_53 = tpu.vector_load %arg6[%get3A_51, %get3A_52] {strides = array<i32>} : memref<12x64xf32, #tpu.memory_space<vmem>>, vector<16xf32>,
    %swap3A_54 = arith.constant 0 : i32
    %swap3A_55 = arith.index_cast %swap3A_54 : i32 to index
    %swap3A_56 = arith.constant 48 : index
    %swap3A_57 = tpu.vector_load %arg8[%swap3A_55, %swap3A_56] {strides = array<i32>} : memref<12x128xf32, #tpu.memory_space<vmem>>, vector<16xf32>,
    tpu.vector_store %arg8[%swap3A_55, %swap3A_56], %get3A_53 {strides = array<i32>} : memref<12x128xf32, #tpu.memory_space<vmem>>, vector<16xf32>,
    %get3A_58 = arith.constant 0 : i32
    %get3A_59 = arith.index_cast %get3A_58 : i32 to index
    %get3A_60 = arith.constant 48 : index
    %get3A_61 = tpu.vector_load %arg7[%get3A_59, %get3A_60] {strides = array<i32>} : memref<4x64xf32, #tpu.memory_space<vmem>>, vector<16xf32>,
    %swap3A_62 = arith.constant 0 : i32
    %swap3A_63 = arith.index_cast %swap3A_62 : i32 to index
    %swap3A_64 = arith.constant 112 : index
    %swap3A_65 = tpu.vector_load %arg8[%swap3A_63, %swap3A_64] {strides = array<i32>} : memref<12x128xf32, #tpu.memory_space<vmem>>, vector<16xf32>,
    tpu.vector_store %arg8[%swap3A_63, %swap3A_64], %get3A_61 {strides = array<i32>} : memref<12x128xf32, #tpu.memory_space<vmem>>, vector<16xf32>,
    %get3A_66 = arith.constant 1 : i32
    %get3A_67 = arith.index_cast %get3A_66 : i32 to index
    %get3A_68 = arith.constant 0 : index
    %get3A_69 = tpu.vector_load %arg6[%get3A_67, %get3A_68] {strides = array<i32>} : memref<12x64xf32, #tpu.memory_space<vmem>>, vector<16xf32>,
    %swap3A_70 = arith.constant 1 : i32
    %swap3A_71 = arith.index_cast %swap3A_70 : i32 to index
    %swap3A_72 = arith.constant 0 : index
    %swap3A_73 = tpu.vector_load %arg8[%swap3A_71, %swap3A_72] {strides = array<i32>} : memref<12x128xf32, #tpu.memory_space<vmem>>, vector<16xf32>,
    tpu.vector_store %arg8[%swap3A_71, %swap3A_72], %get3A_69 {strides = array<i32>} : memref<12x128xf32, #tpu.memory_space<vmem>>, vector<16xf32>,
    %get3A_74 = arith.constant 0 : i32
    %get3A_75 = arith.index_cast %get3A_74 : i32 to index
    %get3A_76 = arith.constant 0 : index
    %get3A_77 = tpu.vector_load %arg7[%get3A_75, %get3A_76] {strides = array<i32>} : memref<4x64xf32, #tpu.memory_space<vmem>>, vector<16xf32>,
    %swap3A_78 = arith.constant 1 : i32
    %swap3A_79 = arith.index_cast %swap3A_78 : i32 to index
    %swap3A_80 = arith.constant 64 : index
    %swap3A_81 = tpu.vector_load %arg8[%swap3A_79, %swap3A_80] {strides = array<i32>} : memref<12x128xf32, #tpu.memory_space<vmem>>, vector<16xf32>,
    tpu.vector_store %arg8[%swap3A_79, %swap3A_80], %get3A_77 {strides = array<i32>} : memref<12x128xf32, #tpu.memory_space<vmem>>, vector<16xf32>,
    %get3A_82 = arith.constant 1 : i32
    %get3A_83 = arith.index_cast %get3A_82 : i32 to index
    %get3A_84 = arith.constant 16 : index
    %get3A_85 = tpu.vector_load %arg6[%get3A_83, %get3A_84] {strides = array<i32>} : memref<12x64xf32, #tpu.memory_space<vmem>>, vector<16xf32>,
    %swap3A_86 = arith.constant 1 : i32
    %swap3A_87 = arith.index_cast %swap3A_86 : i32 to index
    %swap3A_88 = arith.constant 16 : index
    %swap3A_89 = tpu.vector_load %arg8[%swap3A_87, %swap3A_88] {strides = array<i32>} : memref<12x128xf32, #tpu.memory_space<vmem>>, vector<16xf32>,
    tpu.vector_store %arg8[%swap3A_87, %swap3A_88], %get3A_85 {strides = array<i32>} : memref<12x128xf32, #tpu.memory_space<vmem>>, vector<16xf32>,
    %get3A_90 = arith.constant 0 : i32
    %get3A_91 = arith.index_cast %get3A_90 : i32 to index
    %get3A_92 = arith.constant 16 : index
    %get3A_93 = tpu.vector_load %arg7[%get3A_91, %get3A_92] {strides = array<i32>} : memref<4x64xf32, #tpu.memory_space<vmem>>, vector<16xf32>,
    %swap3A_94 = arith.constant 1 : i32
    %swap3A_95 = arith.index_cast %swap3A_94 : i32 to index
    %swap3A_96 = arith.constant 80 : index
    %swap3A_97 = tpu.vector_load %arg8[%swap3A_95, %swap3A_96] {strides = array<i32>} : memref<12x128xf32, #tpu.memory_space<vmem>>, vector<16xf32>,
    tpu.vector_store %arg8[%swap3A_95, %swap3A_96], %get3A_93 {strides = array<i32>} : memref<12x128xf32, #tpu.memory_space<vmem>>, vector<16xf32>,
    %get3A_98 = arith.constant 1 : i32
    %get3A_99 = arith.index_cast %get3A_98 : i32 to index
    %get3A_100 = arith.constant 32 : index
    %get3A_101 = tpu.vector_load %arg6[%get3A_99, %get3A_100] {strides = array<i32>} : memref<12x64xf32, #tpu.memory_space<vmem>>, vector<16xf32>,
    %swap3A_102 = arith.constant 1 : i32
    %swap3A_103 = arith.index_cast %swap3A_102 : i32 to index
    %swap3A_104 = arith.constant 32 : index
    %swap3A_105 = tpu.vector_load %arg8[%swap3A_103, %swap3A_104] {strides = array<i32>} : memref<12x128xf32, #tpu.memory_space<vmem>>, vector<16xf32>,
    tpu.vector_store %arg8[%swap3A_103, %swap3A_104], %get3A_101 {strides = array<i32>} : memref<12x128xf32, #tpu.memory_space<vmem>>, vector<16xf32>,
    %get3A_106 = arith.constant 0 : i32
    %get3A_107 = arith.index_cast %get3A_106 : i32 to index
    %get3A_108 = arith.constant 32 : index
    %get3A_109 = tpu.vector_load %arg7[%get3A_107, %get3A_108] {strides = array<i32>} : memref<4x64xf32, #tpu.memory_space<vmem>>, vector<16xf32>,
    %swap3A_110 = arith.constant 1 : i32
    %swap3A_111 = arith.index_cast %swap3A_110 : i32 to index
    %swap3A_112 = arith.constant 96 : index
    %swap3A_113 = tpu.vector_load %arg8[%swap3A_111, %swap3A_112] {strides = array<i32>} : memref<12x128xf32, #tpu.memory_space<vmem>>, vector<16xf32>,
    tpu.vector_store %arg8[%swap3A_111, %swap3A_112], %get3A_109 {strides = array<i32>} : memref<12x128xf32, #tpu.memory_space<vmem>>, vector<16xf32>,
    %get3A_114 = arith.constant 1 : i32
    %get3A_115 = arith.index_cast %get3A_114 : i32 to index
    %get3A_116 = arith.constant 48 : index
    %get3A_117 = tpu.vector_load %arg6[%get3A_115, %get3A_116] {strides = array<i32>} : memref<12x64xf32, #tpu.memory_space<vmem>>, vector<16xf32>,
    %swap3A_118 = arith.constant 1 : i32
    %swap3A_119 = arith.index_cast %swap3A_118 : i32 to index
    %swap3A_120 = arith.constant 48 : index
    %swap3A_121 = tpu.vector_load %arg8[%swap3A_119, %swap3A_120] {strides = array<i32>} : memref<12x128xf32, #tpu.memory_space<vmem>>, vector<16xf32>,
    tpu.vector_store %arg8[%swap3A_119, %swap3A_120], %get3A_117 {strides = array<i32>} : memref<12x128xf32, #tpu.memory_space<vmem>>, vector<16xf32>,
    %get3A_122 = arith.constant 0 : i32
    %get3A_123 = arith.index_cast %get3A_122 : i32 to index
    %get3A_124 = arith.constant 48 : index
    %get3A_125 = tpu.vector_load %arg7[%get3A_123, %get3A_124] {strides = array<i32>} : memref<4x64xf32, #tpu.memory_space<vmem>>, vector<16xf32>,
    %swap3A_126 = arith.constant 1 : i32
    %swap3A_127 = arith.index_cast %swap3A_126 : i32 to index
    %swap3A_128 = arith.constant 112 : index
    %swap3A_129 = tpu.vector_load %arg8[%swap3A_127, %swap3A_128] {strides = array<i32>} : memref<12x128xf32, #tpu.memory_space<vmem>>, vector<16xf32>,
    tpu.vector_store %arg8[%swap3A_127, %swap3A_128], %get3A_125 {strides = array<i32>} : memref<12x128xf32, #tpu.memory_space<vmem>>, vector<16xf32>,
    %get3A_130 = arith.constant 2 : i32
    %get3A_131 = arith.index_cast %get3A_130 : i32 to index
    %get3A_132 = arith.constant 0 : index
    %get3A_133 = tpu.vector_load %arg6[%get3A_131, %get3A_132] {strides = array<i32>} : memref<12x64xf32, #tpu.memory_space<vmem>>, vector<16xf32>,
    %swap3A_134 = arith.constant 2 : i32
    %swap3A_135 = arith.index_cast %swap3A_134 : i32 to index
    %swap3A_136 = arith.constant 0 : index
    %swap3A_137 = tpu.vector_load %arg8[%swap3A_135, %swap3A_136] {strides = array<i32>} : memref<12x128xf32, #tpu.memory_space<vmem>>, vector<16xf32>,
    tpu.vector_store %arg8[%swap3A_135, %swap3A_136], %get3A_133 {strides = array<i32>} : memref<12x128xf32, #tpu.memory_space<vmem>>, vector<16xf32>,
    %get3A_138 = arith.constant 1 : i32
    %get3A_139 = arith.index_cast %get3A_138 : i32 to index
    %get3A_140 = arith.constant 0 : index
    %get3A_141 = tpu.vector_load %arg7[%get3A_139, %get3A_140] {strides = array<i32>} : memref<4x64xf32, #tpu.memory_space<vmem>>, vector<16xf32>,
    %swap3A_142 = arith.constant 2 : i32
    %swap3A_143 = arith.index_cast %swap3A_142 : i32 to index
    %swap3A_144 = arith.constant 64 : index
    %swap3A_145 = tpu.vector_load %arg8[%swap3A_143, %swap3A_144] {strides = array<i32>} : memref<12x128xf32, #tpu.memory_space<vmem>>, vector<16xf32>,
    tpu.vector_store %arg8[%swap3A_143, %swap3A_144], %get3A_141 {strides = array<i32>} : memref<12x128xf32, #tpu.memory_space<vmem>>, vector<16xf32>,
    %get3A_146 = arith.constant 2 : i32
    %get3A_147 = arith.index_cast %get3A_146 : i32 to index
    %get3A_148 = arith.constant 16 : index
    %get3A_149 = tpu.vector_load %arg6[%get3A_147, %get3A_148] {strides = array<i32>} : memref<12x64xf32, #tpu.memory_space<vmem>>, vector<16xf32>,
    %swap3A_150 = arith.constant 2 : i32
    %swap3A_151 = arith.index_cast %swap3A_150 : i32 to index
    %swap3A_152 = arith.constant 16 : index
    %swap3A_153 = tpu.vector_load %arg8[%swap3A_151, %swap3A_152] {strides = array<i32>} : memref<12x128xf32, #tpu.memory_space<vmem>>, vector<16xf32>,
    tpu.vector_store %arg8[%swap3A_151, %swap3A_152], %get3A_149 {strides = array<i32>} : memref<12x128xf32, #tpu.memory_space<vmem>>, vector<16xf32>,
    %get3A_154 = arith.constant 1 : i32
    %get3A_155 = arith.index_cast %get3A_154 : i32 to index
    %get3A_156 = arith.constant 16 : index
    %get3A_157 = tpu.vector_load %arg7[%get3A_155, %get3A_156] {strides = array<i32>} : memref<4x64xf32, #tpu.memory_space<vmem>>, vector<16xf32>,
    %swap3A_158 = arith.constant 2 : i32
    %swap3A_159 = arith.index_cast %swap3A_158 : i32 to index
    %swap3A_160 = arith.constant 80 : index
    %swap3A_161 = tpu.vector_load %arg8[%swap3A_159, %swap3A_160] {strides = array<i32>} : memref<12x128xf32, #tpu.memory_space<vmem>>, vector<16xf32>,
    tpu.vector_store %arg8[%swap3A_159, %swap3A_160], %get3A_157 {strides = array<i32>} : memref<12x128xf32, #tpu.memory_space<vmem>>, vector<16xf32>,
    %get3A_162 = arith.constant 2 : i32
    %get3A_163 = arith.index_cast %get3A_162 : i32 to index
    %get3A_164 = arith.constant 32 : index
    %get3A_165 = tpu.vector_load %arg6[%get3A_163, %get3A_164] {strides = array<i32>} : memref<12x64xf32, #tpu.memory_space<vmem>>, vector<16xf32>,
    %swap3A_166 = arith.constant 2 : i32
    %swap3A_167 = arith.index_cast %swap3A_166 : i32 to index
    %swap3A_168 = arith.constant 32 : index
    %swap3A_169 = tpu.vector_load %arg8[%swap3A_167, %swap3A_168] {strides = array<i32>} : memref<12x128xf32, #tpu.memory_space<vmem>>, vector<16xf32>,
    tpu.vector_store %arg8[%swap3A_167, %swap3A_168], %get3A_165 {strides = array<i32>} : memref<12x128xf32, #tpu.memory_space<vmem>>, vector<16xf32>,
    %get3A_170 = arith.constant 1 : i32
    %get3A_171 = arith.index_cast %get3A_170 : i32 to index
    %get3A_172 = arith.constant 32 : index
    %get3A_173 = tpu.vector_load %arg7[%get3A_171, %get3A_172] {strides = array<i32>} : memref<4x64xf32, #tpu.memory_space<vmem>>, vector<16xf32>,
    %swap3A_174 = arith.constant 2 : i32
    %swap3A_175 = arith.index_cast %swap3A_174 : i32 to index
    %swap3A_176 = arith.constant 96 : index
    %swap3A_177 = tpu.vector_load %arg8[%swap3A_175, %swap3A_176] {strides = array<i32>} : memref<12x128xf32, #tpu.memory_space<vmem>>, vector<16xf32>,
    tpu.vector_store %arg8[%swap3A_175, %swap3A_176], %get3A_173 {strides = array<i32>} : memref<12x128xf32, #tpu.memory_space<vmem>>, vector<16xf32>,
    %get3A_178 = arith.constant 2 : i32
    %get3A_179 = arith.index_cast %get3A_178 : i32 to index
    %get3A_180 = arith.constant 48 : index
    %get3A_181 = tpu.vector_load %arg6[%get3A_179, %get3A_180] {strides = array<i32>} : memref<12x64xf32, #tpu.memory_space<vmem>>, vector<16xf32>,
    %swap3A_182 = arith.constant 2 : i32
    %swap3A_183 = arith.index_cast %swap3A_182 : i32 to index
    %swap3A_184 = arith.constant 48 : index
    %swap3A_185 = tpu.vector_load %arg8[%swap3A_183, %swap3A_184] {strides = array<i32>} : memref<12x128xf32, #tpu.memory_space<vmem>>, vector<16xf32>,
    tpu.vector_store %arg8[%swap3A_183, %swap3A_184], %get3A_181 {strides = array<i32>} : memref<12x128xf32, #tpu.memory_space<vmem>>, vector<16xf32>,
    %get3A_186 = arith.constant 1 : i32
    %get3A_187 = arith.index_cast %get3A_186 : i32 to index
    %get3A_188 = arith.constant 48 : index
    %get3A_189 = tpu.vector_load %arg7[%get3A_187, %get3A_188] {strides = array<i32>} : memref<4x64xf32, #tpu.memory_space<vmem>>, vector<16xf32>,
    %swap3A_190 = arith.constant 2 : i32
    %swap3A_191 = arith.index_cast %swap3A_190 : i32 to index
    %swap3A_192 = arith.constant 112 : index
    %swap3A_193 = tpu.vector_load %arg8[%swap3A_191, %swap3A_192] {strides = array<i32>} : memref<12x128xf32, #tpu.memory_space<vmem>>, vector<16xf32>,
    tpu.vector_store %arg8[%swap3A_191, %swap3A_192], %get3A_189 {strides = array<i32>} : memref<12x128xf32, #tpu.memory_space<vmem>>, vector<16xf32>,
    %get3A_194 = arith.constant 3 : i32
    %get3A_195 = arith.index_cast %get3A_194 : i32 to index
    %get3A_196 = arith.constant 0 : index
    %get3A_197 = tpu.vector_load %arg6[%get3A_195, %get3A_196] {strides = array<i32>} : memref<12x64xf32, #tpu.memory_space<vmem>>, vector<16xf32>,
    %swap3A_198 = arith.constant 3 : i32
    %swap3A_199 = arith.index_cast %swap3A_198 : i32 to index
    %swap3A_200 = arith.constant 0 : index
    %swap3A_201 = tpu.vector_load %arg8[%swap3A_199, %swap3A_200] {strides = array<i32>} : memref<12x128xf32, #tpu.memory_space<vmem>>, vector<16xf32>,
    tpu.vector_store %arg8[%swap3A_199, %swap3A_200], %get3A_197 {strides = array<i32>} : memref<12x128xf32, #tpu.memory_space<vmem>>, vector<16xf32>,
    %get3A_202 = arith.constant 1 : i32
    %get3A_203 = arith.index_cast %get3A_202 : i32 to index
    %get3A_204 = arith.constant 0 : index
    %get3A_205 = tpu.vector_load %arg7[%get3A_203, %get3A_204] {strides = array<i32>} : memref<4x64xf32, #tpu.memory_space<vmem>>, vector<16xf32>,
    %swap3A_206 = arith.constant 3 : i32
    %swap3A_207 = arith.index_cast %swap3A_206 : i32 to index
    %swap3A_208 = arith.constant 64 : index
    %swap3A_209 = tpu.vector_load %arg8[%swap3A_207, %swap3A_208] {strides = array<i32>} : memref<12x128xf32, #tpu.memory_space<vmem>>, vector<16xf32>,
    tpu.vector_store %arg8[%swap3A_207, %swap3A_208], %get3A_205 {strides = array<i32>} : memref<12x128xf32, #tpu.memory_space<vmem>>, vector<16xf32>,
    %get3A_210 = arith.constant 3 : i32
    %get3A_211 = arith.index_cast %get3A_210 : i32 to index
    %get3A_212 = arith.constant 16 : index
    %get3A_213 = tpu.vector_load %arg6[%get3A_211, %get3A_212] {strides = array<i32>} : memref<12x64xf32, #tpu.memory_space<vmem>>, vector<16xf32>,
    %swap3A_214 = arith.constant 3 : i32
    %swap3A_215 = arith.index_cast %swap3A_214 : i32 to index
    %swap3A_216 = arith.constant 16 : index
    %swap3A_217 = tpu.vector_load %arg8[%swap3A_215, %swap3A_216] {strides = array<i32>} : memref<12x128xf32, #tpu.memory_space<vmem>>, vector<16xf32>,
    tpu.vector_store %arg8[%swap3A_215, %swap3A_216], %get3A_213 {strides = array<i32>} : memref<12x128xf32, #tpu.memory_space<vmem>>, vector<16xf32>,
    %get3A_218 = arith.constant 1 : i32
    %get3A_219 = arith.index_cast %get3A_218 : i32 to index
    %get3A_220 = arith.constant 16 : index
    %get3A_221 = tpu.vector_load %arg7[%get3A_219, %get3A_220] {strides = array<i32>} : memref<4x64xf32, #tpu.memory_space<vmem>>, vector<16xf32>,
    %swap3A_222 = arith.constant 3 : i32
    %swap3A_223 = arith.index_cast %swap3A_222 : i32 to index
    %swap3A_224 = arith.constant 80 : index
    %swap3A_225 = tpu.vector_load %arg8[%swap3A_223, %swap3A_224] {strides = array<i32>} : memref<12x128xf32, #tpu.memory_space<vmem>>, vector<16xf32>,
    tpu.vector_store %arg8[%swap3A_223, %swap3A_224], %get3A_221 {strides = array<i32>} : memref<12x128xf32, #tpu.memory_space<vmem>>, vector<16xf32>,
    %get3A_226 = arith.constant 3 : i32
    %get3A_227 = arith.index_cast %get3A_226 : i32 to index
    %get3A_228 = arith.constant 32 : index
    %get3A_229 = tpu.vector_load %arg6[%get3A_227, %get3A_228] {strides = array<i32>} : memref<12x64xf32, #tpu.memory_space<vmem>>, vector<16xf32>,
    %swap3A_230 = arith.constant 3 : i32
    %swap3A_231 = arith.index_cast %swap3A_230 : i32 to index
    %swap3A_232 = arith.constant 32 : index
    %swap3A_233 = tpu.vector_load %arg8[%swap3A_231, %swap3A_232] {strides = array<i32>} : memref<12x128xf32, #tpu.memory_space<vmem>>, vector<16xf32>,
    tpu.vector_store %arg8[%swap3A_231, %swap3A_232], %get3A_229 {strides = array<i32>} : memref<12x128xf32, #tpu.memory_space<vmem>>, vector<16xf32>,
    %get3A_234 = arith.constant 1 : i32
    %get3A_235 = arith.index_cast %get3A_234 : i32 to index
    %get3A_236 = arith.constant 32 : index
    %get3A_237 = tpu.vector_load %arg7[%get3A_235, %get3A_236] {strides = array<i32>} : memref<4x64xf32, #tpu.memory_space<vmem>>, vector<16xf32>,
    %swap3A_238 = arith.constant 3 : i32
    %swap3A_239 = arith.index_cast %swap3A_238 : i32 to index
    %swap3A_240 = arith.constant 96 : index
    %swap3A_241 = tpu.vector_load %arg8[%swap3A_239, %swap3A_240] {strides = array<i32>} : memref<12x128xf32, #tpu.memory_space<vmem>>, vector<16xf32>,
    tpu.vector_store %arg8[%swap3A_239, %swap3A_240], %get3A_237 {strides = array<i32>} : memref<12x128xf32, #tpu.memory_space<vmem>>, vector<16xf32>,
    %get3A_242 = arith.constant 3 : i32
    %get3A_243 = arith.index_cast %get3A_242 : i32 to index
    %get3A_244 = arith.constant 48 : index
    %get3A_245 = tpu.vector_load %arg6[%get3A_243, %get3A_244] {strides = array<i32>} : memref<12x64xf32, #tpu.memory_space<vmem>>, vector<16xf32>,
    %swap3A_246 = arith.constant 3 : i32
    %swap3A_247 = arith.index_cast %swap3A_246 : i32 to index
    %swap3A_248 = arith.constant 48 : index
    %swap3A_249 = tpu.vector_load %arg8[%swap3A_247, %swap3A_248] {strides = array<i32>} : memref<12x128xf32, #tpu.memory_space<vmem>>, vector<16xf32>,
    tpu.vector_store %arg8[%swap3A_247, %swap3A_248], %get3A_245 {strides = array<i32>} : memref<12x128xf32, #tpu.memory_space<vmem>>, vector<16xf32>,
    %get3A_250 = arith.constant 1 : i32
    %get3A_251 = arith.index_cast %get3A_250 : i32 to index
    %get3A_252 = arith.constant 48 : index
    %get3A_253 = tpu.vector_load %arg7[%get3A_251, %get3A_252] {strides = array<i32>} : memref<4x64xf32, #tpu.memory_space<vmem>>, vector<16xf32>,
    %swap3A_254 = arith.constant 3 : i32
    %swap3A_255 = arith.index_cast %swap3A_254 : i32 to index
    %swap3A_256 = arith.constant 112 : index
    %swap3A_257 = tpu.vector_load %arg8[%swap3A_255, %swap3A_256] {strides = array<i32>} : memref<12x128xf32, #tpu.memory_space<vmem>>, vector<16xf32>,
    tpu.vector_store %arg8[%swap3A_255, %swap3A_256], %get3A_253 {strides = array<i32>} : memref<12x128xf32, #tpu.memory_space<vmem>>, vector<16xf32>,
    %get3A_258 = arith.constant 4 : i32
    %get3A_259 = arith.index_cast %get3A_258 : i32 to index
    %get3A_260 = arith.constant 0 : index
    %get3A_261 = tpu.vector_load %arg6[%get3A_259, %get3A_260] {strides = array<i32>} : memref<12x64xf32, #tpu.memory_space<vmem>>, vector<16xf32>,
    %swap3A_262 = arith.constant 4 : i32
    %swap3A_263 = arith.index_cast %swap3A_262 : i32 to index
    %swap3A_264 = arith.constant 0 : index
    %swap3A_265 = tpu.vector_load %arg8[%swap3A_263, %swap3A_264] {strides = array<i32>} : memref<12x128xf32, #tpu.memory_space<vmem>>, vector<16xf32>,
    tpu.vector_store %arg8[%swap3A_263, %swap3A_264], %get3A_261 {strides = array<i32>} : memref<12x128xf32, #tpu.memory_space<vmem>>, vector<16xf32>,
    %get3A_266 = arith.constant 1 : i32
    %get3A_267 = arith.index_cast %get3A_266 : i32 to index
    %get3A_268 = arith.constant 0 : index
    %get3A_269 = tpu.vector_load %arg7[%get3A_267, %get3A_268] {strides = array<i32>} : memref<4x64xf32, #tpu.memory_space<vmem>>, vector<16xf32>,
    %swap3A_270 = arith.constant 4 : i32
    %swap3A_271 = arith.index_cast %swap3A_270 : i32 to index
    %swap3A_272 = arith.constant 64 : index
    %swap3A_273 = tpu.vector_load %arg8[%swap3A_271, %swap3A_272] {strides = array<i32>} : memref<12x128xf32, #tpu.memory_space<vmem>>, vector<16xf32>,
    tpu.vector_store %arg8[%swap3A_271, %swap3A_272], %get3A_269 {strides = array<i32>} : memref<12x128xf32, #tpu.memory_space<vmem>>, vector<16xf32>,
    %get3A_274 = arith.constant 4 : i32
    %get3A_275 = arith.index_cast %get3A_274 : i32 to index
    %get3A_276 = arith.constant 16 : index
    %get3A_277 = tpu.vector_load %arg6[%get3A_275, %get3A_276] {strides = array<i32>} : memref<12x64xf32, #tpu.memory_space<vmem>>, vector<16xf32>,
    %swap3A_278 = arith.constant 4 : i32
    %swap3A_279 = arith.index_cast %swap3A_278 : i32 to index
    %swap3A_280 = arith.constant 16 : index
    %swap3A_281 = tpu.vector_load %arg8[%swap3A_279, %swap3A_280] {strides = array<i32>} : memref<12x128xf32, #tpu.memory_space<vmem>>, vector<16xf32>,
    tpu.vector_store %arg8[%swap3A_279, %swap3A_280], %get3A_277 {strides = array<i32>} : memref<12x128xf32, #tpu.memory_space<vmem>>, vector<16xf32>,
    %get3A_282 = arith.constant 1 : i32
    %get3A_283 = arith.index_cast %get3A_282 : i32 to index
    %get3A_284 = arith.constant 16 : index
    %get3A_285 = tpu.vector_load %arg7[%get3A_283, %get3A_284] {strides = array<i32>} : memref<4x64xf32, #tpu.memory_space<vmem>>, vector<16xf32>,
    %swap3A_286 = arith.constant 4 : i32
    %swap3A_287 = arith.index_cast %swap3A_286 : i32 to index
    %swap3A_288 = arith.constant 80 : index
    %swap3A_289 = tpu.vector_load %arg8[%swap3A_287, %swap3A_288] {strides = array<i32>} : memref<12x128xf32, #tpu.memory_space<vmem>>, vector<16xf32>,
    tpu.vector_store %arg8[%swap3A_287, %swap3A_288], %get3A_285 {strides = array<i32>} : memref<12x128xf32, #tpu.memory_space<vmem>>, vector<16xf32>,
    %get3A_290 = arith.constant 4 : i32
    %get3A_291 = arith.index_cast %get3A_290 : i32 to index
    %get3A_292 = arith.constant 32 : index
    %get3A_293 = tpu.vector_load %arg6[%get3A_291, %get3A_292] {strides = array<i32>} : memref<12x64xf32, #tpu.memory_space<vmem>>, vector<16xf32>,
    %swap3A_294 = arith.constant 4 : i32
    %swap3A_295 = arith.index_cast %swap3A_294 : i32 to index
    %swap3A_296 = arith.constant 32 : index
    %swap3A_297 = tpu.vector_load %arg8[%swap3A_295, %swap3A_296] {strides = array<i32>} : memref<12x128xf32, #tpu.memory_space<vmem>>, vector<16xf32>,
    tpu.vector_store %arg8[%swap3A_295, %swap3A_296], %get3A_293 {strides = array<i32>} : memref<12x128xf32, #tpu.memory_space<vmem>>, vector<16xf32>,
    %get3A_298 = arith.constant 1 : i32
    %get3A_299 = arith.index_cast %get3A_298 : i32 to index
    %get3A_300 = arith.constant 32 : index
    %get3A_301 = tpu.vector_load %arg7[%get3A_299, %get3A_300] {strides = array<i32>} : memref<4x64xf32, #tpu.memory_space<vmem>>, vector<16xf32>,
    %swap3A_302 = arith.constant 4 : i32
    %swap3A_303 = arith.index_cast %swap3A_302 : i32 to index
    %swap3A_304 = arith.constant 96 : index
    %swap3A_305 = tpu.vector_load %arg8[%swap3A_303, %swap3A_304] {strides = array<i32>} : memref<12x128xf32, #tpu.memory_space<vmem>>, vector<16xf32>,
    tpu.vector_store %arg8[%swap3A_303, %swap3A_304], %get3A_301 {strides = array<i32>} : memref<12x128xf32, #tpu.memory_space<vmem>>, vector<16xf32>,
    %get3A_306 = arith.constant 4 : i32
    %get3A_307 = arith.index_cast %get3A_306 : i32 to index
    %get3A_308 = arith.constant 48 : index
    %get3A_309 = tpu.vector_load %arg6[%get3A_307, %get3A_308] {strides = array<i32>} : memref<12x64xf32, #tpu.memory_space<vmem>>, vector<16xf32>,
    %swap3A_310 = arith.constant 4 : i32
    %swap3A_311 = arith.index_cast %swap3A_310 : i32 to index
    %swap3A_312 = arith.constant 48 : index
    %swap3A_313 = tpu.vector_load %arg8[%swap3A_311, %swap3A_312] {strides = array<i32>} : memref<12x128xf32, #tpu.memory_space<vmem>>, vector<16xf32>,
    tpu.vector_store %arg8[%swap3A_311, %swap3A_312], %get3A_309 {strides = array<i32>} : memref<12x128xf32, #tpu.memory_space<vmem>>, vector<16xf32>,
    %get3A_314 = arith.constant 1 : i32
    %get3A_315 = arith.index_cast %get3A_314 : i32 to index
    %get3A_316 = arith.constant 48 : index
    %get3A_317 = tpu.vector_load %arg7[%get3A_315, %get3A_316] {strides = array<i32>} : memref<4x64xf32, #tpu.memory_space<vmem>>, vector<16xf32>,
    %swap3A_318 = arith.constant 4 : i32
    %swap3A_319 = arith.index_cast %swap3A_318 : i32 to index
    %swap3A_320 = arith.constant 112 : index
    %swap3A_321 = tpu.vector_load %arg8[%swap3A_319, %swap3A_320] {strides = array<i32>} : memref<12x128xf32, #tpu.memory_space<vmem>>, vector<16xf32>,
    tpu.vector_store %arg8[%swap3A_319, %swap3A_320], %get3A_317 {strides = array<i32>} : memref<12x128xf32, #tpu.memory_space<vmem>>, vector<16xf32>,
    %get3A_322 = arith.constant 5 : i32
    %get3A_323 = arith.index_cast %get3A_322 : i32 to index
    %get3A_324 = arith.constant 0 : index
    %get3A_325 = tpu.vector_load %arg6[%get3A_323, %get3A_324] {strides = array<i32>} : memref<12x64xf32, #tpu.memory_space<vmem>>, vector<16xf32>,
    %swap3A_326 = arith.constant 5 : i32
    %swap3A_327 = arith.index_cast %swap3A_326 : i32 to index
    %swap3A_328 = arith.constant 0 : index
    %swap3A_329 = tpu.vector_load %arg8[%swap3A_327, %swap3A_328] {strides = array<i32>} : memref<12x128xf32, #tpu.memory_space<vmem>>, vector<16xf32>,
    tpu.vector_store %arg8[%swap3A_327, %swap3A_328], %get3A_325 {strides = array<i32>} : memref<12x128xf32, #tpu.memory_space<vmem>>, vector<16xf32>,
    %get3A_330 = arith.constant 2 : i32
    %get3A_331 = arith.index_cast %get3A_330 : i32 to index
    %get3A_332 = arith.constant 0 : index
    %get3A_333 = tpu.vector_load %arg7[%get3A_331, %get3A_332] {strides = array<i32>} : memref<4x64xf32, #tpu.memory_space<vmem>>, vector<16xf32>,
    %swap3A_334 = arith.constant 5 : i32
    %swap3A_335 = arith.index_cast %swap3A_334 : i32 to index
    %swap3A_336 = arith.constant 64 : index
    %swap3A_337 = tpu.vector_load %arg8[%swap3A_335, %swap3A_336] {strides = array<i32>} : memref<12x128xf32, #tpu.memory_space<vmem>>, vector<16xf32>,
    tpu.vector_store %arg8[%swap3A_335, %swap3A_336], %get3A_333 {strides = array<i32>} : memref<12x128xf32, #tpu.memory_space<vmem>>, vector<16xf32>,
    %get3A_338 = arith.constant 5 : i32
    %get3A_339 = arith.index_cast %get3A_338 : i32 to index
    %get3A_340 = arith.constant 16 : index
    %get3A_341 = tpu.vector_load %arg6[%get3A_339, %get3A_340] {strides = array<i32>} : memref<12x64xf32, #tpu.memory_space<vmem>>, vector<16xf32>,
    %swap3A_342 = arith.constant 5 : i32
    %swap3A_343 = arith.index_cast %swap3A_342 : i32 to index
    %swap3A_344 = arith.constant 16 : index
    %swap3A_345 = tpu.vector_load %arg8[%swap3A_343, %swap3A_344] {strides = array<i32>} : memref<12x128xf32, #tpu.memory_space<vmem>>, vector<16xf32>,
    tpu.vector_store %arg8[%swap3A_343, %swap3A_344], %get3A_341 {strides = array<i32>} : memref<12x128xf32, #tpu.memory_space<vmem>>, vector<16xf32>,
    %get3A_346 = arith.constant 2 : i32
    %get3A_347 = arith.index_cast %get3A_346 : i32 to index
    %get3A_348 = arith.constant 16 : index
    %get3A_349 = tpu.vector_load %arg7[%get3A_347, %get3A_348] {strides = array<i32>} : memref<4x64xf32, #tpu.memory_space<vmem>>, vector<16xf32>,
    %swap3A_350 = arith.constant 5 : i32
    %swap3A_351 = arith.index_cast %swap3A_350 : i32 to index
    %swap3A_352 = arith.constant 80 : index
    %swap3A_353 = tpu.vector_load %arg8[%swap3A_351, %swap3A_352] {strides = array<i32>} : memref<12x128xf32, #tpu.memory_space<vmem>>, vector<16xf32>,
    tpu.vector_store %arg8[%swap3A_351, %swap3A_352], %get3A_349 {strides = array<i32>} : memref<12x128xf32, #tpu.memory_space<vmem>>, vector<16xf32>,
    %get3A_354 = arith.constant 5 : i32
    %get3A_355 = arith.index_cast %get3A_354 : i32 to index
    %get3A_356 = arith.constant 32 : index
    %get3A_357 = tpu.vector_load %arg6[%get3A_355, %get3A_356] {strides = array<i32>} : memref<12x64xf32, #tpu.memory_space<vmem>>, vector<16xf32>,
    %swap3A_358 = arith.constant 5 : i32
    %swap3A_359 = arith.index_cast %swap3A_358 : i32 to index
    %swap3A_360 = arith.constant 32 : index
    %swap3A_361 = tpu.vector_load %arg8[%swap3A_359, %swap3A_360] {strides = array<i32>} : memref<12x128xf32, #tpu.memory_space<vmem>>, vector<16xf32>,
    tpu.vector_store %arg8[%swap3A_359, %swap3A_360], %get3A_357 {strides = array<i32>} : memref<12x128xf32, #tpu.memory_space<vmem>>, vector<16xf32>,
    %get3A_362 = arith.constant 2 : i32
    %get3A_363 = arith.index_cast %get3A_362 : i32 to index
    %get3A_364 = arith.constant 32 : index
    %get3A_365 = tpu.vector_load %arg7[%get3A_363, %get3A_364] {strides = array<i32>} : memref<4x64xf32, #tpu.memory_space<vmem>>, vector<16xf32>,
    %swap3A_366 = arith.constant 5 : i32
    %swap3A_367 = arith.index_cast %swap3A_366 : i32 to index
    %swap3A_368 = arith.constant 96 : index
    %swap3A_369 = tpu.vector_load %arg8[%swap3A_367, %swap3A_368] {strides = array<i32>} : memref<12x128xf32, #tpu.memory_space<vmem>>, vector<16xf32>,
    tpu.vector_store %arg8[%swap3A_367, %swap3A_368], %get3A_365 {strides = array<i32>} : memref<12x128xf32, #tpu.memory_space<vmem>>, vector<16xf32>,
    %get3A_370 = arith.constant 5 : i32
    %get3A_371 = arith.index_cast %get3A_370 : i32 to index
    %get3A_372 = arith.constant 48 : index
    %get3A_373 = tpu.vector_load %arg6[%get3A_371, %get3A_372] {strides = array<i32>} : memref<12x64xf32, #tpu.memory_space<vmem>>, vector<16xf32>,
    %swap3A_374 = arith.constant 5 : i32
    %swap3A_375 = arith.index_cast %swap3A_374 : i32 to index
    %swap3A_376 = arith.constant 48 : index
    %swap3A_377 = tpu.vector_load %arg8[%swap3A_375, %swap3A_376] {strides = array<i32>} : memref<12x128xf32, #tpu.memory_space<vmem>>, vector<16xf32>,
    tpu.vector_store %arg8[%swap3A_375, %swap3A_376], %get3A_373 {strides = array<i32>} : memref<12x128xf32, #tpu.memory_space<vmem>>, vector<16xf32>,
    %get3A_378 = arith.constant 2 : i32
    %get3A_379 = arith.index_cast %get3A_378 : i32 to index
    %get3A_380 = arith.constant 48 : index
    %get3A_381 = tpu.vector_load %arg7[%get3A_379, %get3A_380] {strides = array<i32>} : memref<4x64xf32, #tpu.memory_space<vmem>>, vector<16xf32>,
    %swap3A_382 = arith.constant 5 : i32
    %swap3A_383 = arith.index_cast %swap3A_382 : i32 to index
    %swap3A_384 = arith.constant 112 : index
    %swap3A_385 = tpu.vector_load %arg8[%swap3A_383, %swap3A_384] {strides = array<i32>} : memref<12x128xf32, #tpu.memory_space<vmem>>, vector<16xf32>,
    tpu.vector_store %arg8[%swap3A_383, %swap3A_384], %get3A_381 {strides = array<i32>} : memref<12x128xf32, #tpu.memory_space<vmem>>, vector<16xf32>,
    %get3A_386 = arith.constant 6 : i32
    %get3A_387 = arith.index_cast %get3A_386 : i32 to index
    %get3A_388 = arith.constant 0 : index
    %get3A_389 = tpu.vector_load %arg6[%get3A_387, %get3A_388] {strides = array<i32>} : memref<12x64xf32, #tpu.memory_space<vmem>>, vector<16xf32>,
    %swap3A_390 = arith.constant 6 : i32
    %swap3A_391 = arith.index_cast %swap3A_390 : i32 to index
    %swap3A_392 = arith.constant 0 : index
    %swap3A_393 = tpu.vector_load %arg8[%swap3A_391, %swap3A_392] {strides = array<i32>} : memref<12x128xf32, #tpu.memory_space<vmem>>, vector<16xf32>,
    tpu.vector_store %arg8[%swap3A_391, %swap3A_392], %get3A_389 {strides = array<i32>} : memref<12x128xf32, #tpu.memory_space<vmem>>, vector<16xf32>,
    %get3A_394 = arith.constant 2 : i32
    %get3A_395 = arith.index_cast %get3A_394 : i32 to index
    %get3A_396 = arith.constant 0 : index
    %get3A_397 = tpu.vector_load %arg7[%get3A_395, %get3A_396] {strides = array<i32>} : memref<4x64xf32, #tpu.memory_space<vmem>>, vector<16xf32>,
    %swap3A_398 = arith.constant 6 : i32
    %swap3A_399 = arith.index_cast %swap3A_398 : i32 to index
    %swap3A_400 = arith.constant 64 : index
    %swap3A_401 = tpu.vector_load %arg8[%swap3A_399, %swap3A_400] {strides = array<i32>} : memref<12x128xf32, #tpu.memory_space<vmem>>, vector<16xf32>,
    tpu.vector_store %arg8[%swap3A_399, %swap3A_400], %get3A_397 {strides = array<i32>} : memref<12x128xf32, #tpu.memory_space<vmem>>, vector<16xf32>,
    %get3A_402 = arith.constant 6 : i32
    %get3A_403 = arith.index_cast %get3A_402 : i32 to index
    %get3A_404 = arith.constant 16 : index
    %get3A_405 = tpu.vector_load %arg6[%get3A_403, %get3A_404] {strides = array<i32>} : memref<12x64xf32, #tpu.memory_space<vmem>>, vector<16xf32>,
    %swap3A_406 = arith.constant 6 : i32
    %swap3A_407 = arith.index_cast %swap3A_406 : i32 to index
    %swap3A_408 = arith.constant 16 : index
    %swap3A_409 = tpu.vector_load %arg8[%swap3A_407, %swap3A_408] {strides = array<i32>} : memref<12x128xf32, #tpu.memory_space<vmem>>, vector<16xf32>,
    tpu.vector_store %arg8[%swap3A_407, %swap3A_408], %get3A_405 {strides = array<i32>} : memref<12x128xf32, #tpu.memory_space<vmem>>, vector<16xf32>,
    %get3A_410 = arith.constant 2 : i32
    %get3A_411 = arith.index_cast %get3A_410 : i32 to index
    %get3A_412 = arith.constant 16 : index
    %get3A_413 = tpu.vector_load %arg7[%get3A_411, %get3A_412] {strides = array<i32>} : memref<4x64xf32, #tpu.memory_space<vmem>>, vector<16xf32>,
    %swap3A_414 = arith.constant 6 : i32
    %swap3A_415 = arith.index_cast %swap3A_414 : i32 to index
    %swap3A_416 = arith.constant 80 : index
    %swap3A_417 = tpu.vector_load %arg8[%swap3A_415, %swap3A_416] {strides = array<i32>} : memref<12x128xf32, #tpu.memory_space<vmem>>, vector<16xf32>,
    tpu.vector_store %arg8[%swap3A_415, %swap3A_416], %get3A_413 {strides = array<i32>} : memref<12x128xf32, #tpu.memory_space<vmem>>, vector<16xf32>,
    %get3A_418 = arith.constant 6 : i32
    %get3A_419 = arith.index_cast %get3A_418 : i32 to index
    %get3A_420 = arith.constant 32 : index
    %get3A_421 = tpu.vector_load %arg6[%get3A_419, %get3A_420] {strides = array<i32>} : memref<12x64xf32, #tpu.memory_space<vmem>>, vector<16xf32>,
    %swap3A_422 = arith.constant 6 : i32
    %swap3A_423 = arith.index_cast %swap3A_422 : i32 to index
    %swap3A_424 = arith.constant 32 : index
    %swap3A_425 = tpu.vector_load %arg8[%swap3A_423, %swap3A_424] {strides = array<i32>} : memref<12x128xf32, #tpu.memory_space<vmem>>, vector<16xf32>,
    tpu.vector_store %arg8[%swap3A_423, %swap3A_424], %get3A_421 {strides = array<i32>} : memref<12x128xf32, #tpu.memory_space<vmem>>, vector<16xf32>,
    %get3A_426 = arith.constant 2 : i32
    %get3A_427 = arith.index_cast %get3A_426 : i32 to index
    %get3A_428 = arith.constant 32 : index
    %get3A_429 = tpu.vector_load %arg7[%get3A_427, %get3A_428] {strides = array<i32>} : memref<4x64xf32, #tpu.memory_space<vmem>>, vector<16xf32>,
    %swap3A_430 = arith.constant 6 : i32
    %swap3A_431 = arith.index_cast %swap3A_430 : i32 to index
    %swap3A_432 = arith.constant 96 : index
    %swap3A_433 = tpu.vector_load %arg8[%swap3A_431, %swap3A_432] {strides = array<i32>} : memref<12x128xf32, #tpu.memory_space<vmem>>, vector<16xf32>,
    tpu.vector_store %arg8[%swap3A_431, %swap3A_432], %get3A_429 {strides = array<i32>} : memref<12x128xf32, #tpu.memory_space<vmem>>, vector<16xf32>,
    %get3A_434 = arith.constant 6 : i32
    %get3A_435 = arith.index_cast %get3A_434 : i32 to index
    %get3A_436 = arith.constant 48 : index
    %get3A_437 = tpu.vector_load %arg6[%get3A_435, %get3A_436] {strides = array<i32>} : memref<12x64xf32, #tpu.memory_space<vmem>>, vector<16xf32>,
    %swap3A_438 = arith.constant 6 : i32
    %swap3A_439 = arith.index_cast %swap3A_438 : i32 to index
    %swap3A_440 = arith.constant 48 : index
    %swap3A_441 = tpu.vector_load %arg8[%swap3A_439, %swap3A_440] {strides = array<i32>} : memref<12x128xf32, #tpu.memory_space<vmem>>, vector<16xf32>,
    tpu.vector_store %arg8[%swap3A_439, %swap3A_440], %get3A_437 {strides = array<i32>} : memref<12x128xf32, #tpu.memory_space<vmem>>, vector<16xf32>,
    %get3A_442 = arith.constant 2 : i32
    %get3A_443 = arith.index_cast %get3A_442 : i32 to index
    %get3A_444 = arith.constant 48 : index
    %get3A_445 = tpu.vector_load %arg7[%get3A_443, %get3A_444] {strides = array<i32>} : memref<4x64xf32, #tpu.memory_space<vmem>>, vector<16xf32>,
    %swap3A_446 = arith.constant 6 : i32
    %swap3A_447 = arith.index_cast %swap3A_446 : i32 to index
    %swap3A_448 = arith.constant 112 : index
    %swap3A_449 = tpu.vector_load %arg8[%swap3A_447, %swap3A_448] {strides = array<i32>} : memref<12x128xf32, #tpu.memory_space<vmem>>, vector<16xf32>,
    tpu.vector_store %arg8[%swap3A_447, %swap3A_448], %get3A_445 {strides = array<i32>} : memref<12x128xf32, #tpu.memory_space<vmem>>, vector<16xf32>,
    %get3A_450 = arith.constant 7 : i32
    %get3A_451 = arith.index_cast %get3A_450 : i32 to index
    %get3A_452 = arith.constant 0 : index
    %get3A_453 = tpu.vector_load %arg6[%get3A_451, %get3A_452] {strides = array<i32>} : memref<12x64xf32, #tpu.memory_space<vmem>>, vector<16xf32>,
    %swap3A_454 = arith.constant 7 : i32
    %swap3A_455 = arith.index_cast %swap3A_454 : i32 to index
    %swap3A_456 = arith.constant 0 : index
    %swap3A_457 = tpu.vector_load %arg8[%swap3A_455, %swap3A_456] {strides = array<i32>} : memref<12x128xf32, #tpu.memory_space<vmem>>, vector<16xf32>,
    tpu.vector_store %arg8[%swap3A_455, %swap3A_456], %get3A_453 {strides = array<i32>} : memref<12x128xf32, #tpu.memory_space<vmem>>, vector<16xf32>,
    %get3A_458 = arith.constant 2 : i32
    %get3A_459 = arith.index_cast %get3A_458 : i32 to index
    %get3A_460 = arith.constant 0 : index
    %get3A_461 = tpu.vector_load %arg7[%get3A_459, %get3A_460] {strides = array<i32>} : memref<4x64xf32, #tpu.memory_space<vmem>>, vector<16xf32>,
    %swap3A_462 = arith.constant 7 : i32
    %swap3A_463 = arith.index_cast %swap3A_462 : i32 to index
    %swap3A_464 = arith.constant 64 : index
    %swap3A_465 = tpu.vector_load %arg8[%swap3A_463, %swap3A_464] {strides = array<i32>} : memref<12x128xf32, #tpu.memory_space<vmem>>, vector<16xf32>,
    tpu.vector_store %arg8[%swap3A_463, %swap3A_464], %get3A_461 {strides = array<i32>} : memref<12x128xf32, #tpu.memory_space<vmem>>, vector<16xf32>,
    %get3A_466 = arith.constant 7 : i32
    %get3A_467 = arith.index_cast %get3A_466 : i32 to index
    %get3A_468 = arith.constant 16 : index
    %get3A_469 = tpu.vector_load %arg6[%get3A_467, %get3A_468] {strides = array<i32>} : memref<12x64xf32, #tpu.memory_space<vmem>>, vector<16xf32>,
    %swap3A_470 = arith.constant 7 : i32
    %swap3A_471 = arith.index_cast %swap3A_470 : i32 to index
    %swap3A_472 = arith.constant 16 : index
    %swap3A_473 = tpu.vector_load %arg8[%swap3A_471, %swap3A_472] {strides = array<i32>} : memref<12x128xf32, #tpu.memory_space<vmem>>, vector<16xf32>,
    tpu.vector_store %arg8[%swap3A_471, %swap3A_472], %get3A_469 {strides = array<i32>} : memref<12x128xf32, #tpu.memory_space<vmem>>, vector<16xf32>,
    %get3A_474 = arith.constant 2 : i32
    %get3A_475 = arith.index_cast %get3A_474 : i32 to index
    %get3A_476 = arith.constant 16 : index
    %get3A_477 = tpu.vector_load %arg7[%get3A_475, %get3A_476] {strides = array<i32>} : memref<4x64xf32, #tpu.memory_space<vmem>>, vector<16xf32>,
    %swap3A_478 = arith.constant 7 : i32
    %swap3A_479 = arith.index_cast %swap3A_478 : i32 to index
    %swap3A_480 = arith.constant 80 : index
    %swap3A_481 = tpu.vector_load %arg8[%swap3A_479, %swap3A_480] {strides = array<i32>} : memref<12x128xf32, #tpu.memory_space<vmem>>, vector<16xf32>,
    tpu.vector_store %arg8[%swap3A_479, %swap3A_480], %get3A_477 {strides = array<i32>} : memref<12x128xf32, #tpu.memory_space<vmem>>, vector<16xf32>,
    %get3A_482 = arith.constant 7 : i32
    %get3A_483 = arith.index_cast %get3A_482 : i32 to index
    %get3A_484 = arith.constant 32 : index
    %get3A_485 = tpu.vector_load %arg6[%get3A_483, %get3A_484] {strides = array<i32>} : memref<12x64xf32, #tpu.memory_space<vmem>>, vector<16xf32>,
    %swap3A_486 = arith.constant 7 : i32
    %swap3A_487 = arith.index_cast %swap3A_486 : i32 to index
    %swap3A_488 = arith.constant 32 : index
    %swap3A_489 = tpu.vector_load %arg8[%swap3A_487, %swap3A_488] {strides = array<i32>} : memref<12x128xf32, #tpu.memory_space<vmem>>, vector<16xf32>,
    tpu.vector_store %arg8[%swap3A_487, %swap3A_488], %get3A_485 {strides = array<i32>} : memref<12x128xf32, #tpu.memory_space<vmem>>, vector<16xf32>,
    %get3A_490 = arith.constant 2 : i32
    %get3A_491 = arith.index_cast %get3A_490 : i32 to index
    %get3A_492 = arith.constant 32 : index
    %get3A_493 = tpu.vector_load %arg7[%get3A_491, %get3A_492] {strides = array<i32>} : memref<4x64xf32, #tpu.memory_space<vmem>>, vector<16xf32>,
    %swap3A_494 = arith.constant 7 : i32
    %swap3A_495 = arith.index_cast %swap3A_494 : i32 to index
    %swap3A_496 = arith.constant 96 : index
    %swap3A_497 = tpu.vector_load %arg8[%swap3A_495, %swap3A_496] {strides = array<i32>} : memref<12x128xf32, #tpu.memory_space<vmem>>, vector<16xf32>,
    tpu.vector_store %arg8[%swap3A_495, %swap3A_496], %get3A_493 {strides = array<i32>} : memref<12x128xf32, #tpu.memory_space<vmem>>, vector<16xf32>,
    %get3A_498 = arith.constant 7 : i32
    %get3A_499 = arith.index_cast %get3A_498 : i32 to index
    %get3A_500 = arith.constant 48 : index
    %get3A_501 = tpu.vector_load %arg6[%get3A_499, %get3A_500] {strides = array<i32>} : memref<12x64xf32, #tpu.memory_space<vmem>>, vector<16xf32>,
    %swap3A_502 = arith.constant 7 : i32
    %swap3A_503 = arith.index_cast %swap3A_502 : i32 to index
    %swap3A_504 = arith.constant 48 : index
    %swap3A_505 = tpu.vector_load %arg8[%swap3A_503, %swap3A_504] {strides = array<i32>} : memref<12x128xf32, #tpu.memory_space<vmem>>, vector<16xf32>,
    tpu.vector_store %arg8[%swap3A_503, %swap3A_504], %get3A_501 {strides = array<i32>} : memref<12x128xf32, #tpu.memory_space<vmem>>, vector<16xf32>,
    %get3A_506 = arith.constant 2 : i32
    %get3A_507 = arith.index_cast %get3A_506 : i32 to index
    %get3A_508 = arith.constant 48 : index
    %get3A_509 = tpu.vector_load %arg7[%get3A_507, %get3A_508] {strides = array<i32>} : memref<4x64xf32, #tpu.memory_space<vmem>>, vector<16xf32>,
    %swap3A_510 = arith.constant 7 : i32
    %swap3A_511 = arith.index_cast %swap3A_510 : i32 to index
    %swap3A_512 = arith.constant 112 : index
    %swap3A_513 = tpu.vector_load %arg8[%swap3A_511, %swap3A_512] {strides = array<i32>} : memref<12x128xf32, #tpu.memory_space<vmem>>, vector<16xf32>,
    tpu.vector_store %arg8[%swap3A_511, %swap3A_512], %get3A_509 {strides = array<i32>} : memref<12x128xf32, #tpu.memory_space<vmem>>, vector<16xf32>,
    %get3A_514 = arith.constant 8 : i32
    %get3A_515 = arith.index_cast %get3A_514 : i32 to index
    %get3A_516 = arith.constant 0 : index
    %get3A_517 = tpu.vector_load %arg6[%get3A_515, %get3A_516] {strides = array<i32>} : memref<12x64xf32, #tpu.memory_space<vmem>>, vector<16xf32>,
    %swap3A_518 = arith.constant 8 : i32
    %swap3A_519 = arith.index_cast %swap3A_518 : i32 to index
    %swap3A_520 = arith.constant 0 : index
    %swap3A_521 = tpu.vector_load %arg8[%swap3A_519, %swap3A_520] {strides = array<i32>} : memref<12x128xf32, #tpu.memory_space<vmem>>, vector<16xf32>,
    tpu.vector_store %arg8[%swap3A_519, %swap3A_520], %get3A_517 {strides = array<i32>} : memref<12x128xf32, #tpu.memory_space<vmem>>, vector<16xf32>,
    %get3A_522 = arith.constant 3 : i32
    %get3A_523 = arith.index_cast %get3A_522 : i32 to index
    %get3A_524 = arith.constant 0 : index
    %get3A_525 = tpu.vector_load %arg7[%get3A_523, %get3A_524] {strides = array<i32>} : memref<4x64xf32, #tpu.memory_space<vmem>>, vector<16xf32>,
    %swap3A_526 = arith.constant 8 : i32
    %swap3A_527 = arith.index_cast %swap3A_526 : i32 to index
    %swap3A_528 = arith.constant 64 : index
    %swap3A_529 = tpu.vector_load %arg8[%swap3A_527, %swap3A_528] {strides = array<i32>} : memref<12x128xf32, #tpu.memory_space<vmem>>, vector<16xf32>,
    tpu.vector_store %arg8[%swap3A_527, %swap3A_528], %get3A_525 {strides = array<i32>} : memref<12x128xf32, #tpu.memory_space<vmem>>, vector<16xf32>,
    %get3A_530 = arith.constant 8 : i32
    %get3A_531 = arith.index_cast %get3A_530 : i32 to index
    %get3A_532 = arith.constant 16 : index
    %get3A_533 = tpu.vector_load %arg6[%get3A_531, %get3A_532] {strides = array<i32>} : memref<12x64xf32, #tpu.memory_space<vmem>>, vector<16xf32>,
    %swap3A_534 = arith.constant 8 : i32
    %swap3A_535 = arith.index_cast %swap3A_534 : i32 to index
    %swap3A_536 = arith.constant 16 : index
    %swap3A_537 = tpu.vector_load %arg8[%swap3A_535, %swap3A_536] {strides = array<i32>} : memref<12x128xf32, #tpu.memory_space<vmem>>, vector<16xf32>,
    tpu.vector_store %arg8[%swap3A_535, %swap3A_536], %get3A_533 {strides = array<i32>} : memref<12x128xf32, #tpu.memory_space<vmem>>, vector<16xf32>,
    %get3A_538 = arith.constant 3 : i32
    %get3A_539 = arith.index_cast %get3A_538 : i32 to index
    %get3A_540 = arith.constant 16 : index
    %get3A_541 = tpu.vector_load %arg7[%get3A_539, %get3A_540] {strides = array<i32>} : memref<4x64xf32, #tpu.memory_space<vmem>>, vector<16xf32>,
    %swap3A_542 = arith.constant 8 : i32
    %swap3A_543 = arith.index_cast %swap3A_542 : i32 to index
    %swap3A_544 = arith.constant 80 : index
    %swap3A_545 = tpu.vector_load %arg8[%swap3A_543, %swap3A_544] {strides = array<i32>} : memref<12x128xf32, #tpu.memory_space<vmem>>, vector<16xf32>,
    tpu.vector_store %arg8[%swap3A_543, %swap3A_544], %get3A_541 {strides = array<i32>} : memref<12x128xf32, #tpu.memory_space<vmem>>, vector<16xf32>,
    %get3A_546 = arith.constant 8 : i32
    %get3A_547 = arith.index_cast %get3A_546 : i32 to index
    %get3A_548 = arith.constant 32 : index
    %get3A_549 = tpu.vector_load %arg6[%get3A_547, %get3A_548] {strides = array<i32>} : memref<12x64xf32, #tpu.memory_space<vmem>>, vector<16xf32>,
    %swap3A_550 = arith.constant 8 : i32
    %swap3A_551 = arith.index_cast %swap3A_550 : i32 to index
    %swap3A_552 = arith.constant 32 : index
    %swap3A_553 = tpu.vector_load %arg8[%swap3A_551, %swap3A_552] {strides = array<i32>} : memref<12x128xf32, #tpu.memory_space<vmem>>, vector<16xf32>,
    tpu.vector_store %arg8[%swap3A_551, %swap3A_552], %get3A_549 {strides = array<i32>} : memref<12x128xf32, #tpu.memory_space<vmem>>, vector<16xf32>,
    %get3A_554 = arith.constant 3 : i32
    %get3A_555 = arith.index_cast %get3A_554 : i32 to index
    %get3A_556 = arith.constant 32 : index
    %get3A_557 = tpu.vector_load %arg7[%get3A_555, %get3A_556] {strides = array<i32>} : memref<4x64xf32, #tpu.memory_space<vmem>>, vector<16xf32>,
    %swap3A_558 = arith.constant 8 : i32
    %swap3A_559 = arith.index_cast %swap3A_558 : i32 to index
    %swap3A_560 = arith.constant 96 : index
    %swap3A_561 = tpu.vector_load %arg8[%swap3A_559, %swap3A_560] {strides = array<i32>} : memref<12x128xf32, #tpu.memory_space<vmem>>, vector<16xf32>,
    tpu.vector_store %arg8[%swap3A_559, %swap3A_560], %get3A_557 {strides = array<i32>} : memref<12x128xf32, #tpu.memory_space<vmem>>, vector<16xf32>,
    %get3A_562 = arith.constant 8 : i32
    %get3A_563 = arith.index_cast %get3A_562 : i32 to index
    %get3A_564 = arith.constant 48 : index
    %get3A_565 = tpu.vector_load %arg6[%get3A_563, %get3A_564] {strides = array<i32>} : memref<12x64xf32, #tpu.memory_space<vmem>>, vector<16xf32>,
    %swap3A_566 = arith.constant 8 : i32
    %swap3A_567 = arith.index_cast %swap3A_566 : i32 to index
    %swap3A_568 = arith.constant 48 : index
    %swap3A_569 = tpu.vector_load %arg8[%swap3A_567, %swap3A_568] {strides = array<i32>} : memref<12x128xf32, #tpu.memory_space<vmem>>, vector<16xf32>,
    tpu.vector_store %arg8[%swap3A_567, %swap3A_568], %get3A_565 {strides = array<i32>} : memref<12x128xf32, #tpu.memory_space<vmem>>, vector<16xf32>,
    %get3A_570 = arith.constant 3 : i32
    %get3A_571 = arith.index_cast %get3A_570 : i32 to index
    %get3A_572 = arith.constant 48 : index
    %get3A_573 = tpu.vector_load %arg7[%get3A_571, %get3A_572] {strides = array<i32>} : memref<4x64xf32, #tpu.memory_space<vmem>>, vector<16xf32>,
    %swap3A_574 = arith.constant 8 : i32
    %swap3A_575 = arith.index_cast %swap3A_574 : i32 to index
    %swap3A_576 = arith.constant 112 : index
    %swap3A_577 = tpu.vector_load %arg8[%swap3A_575, %swap3A_576] {strides = array<i32>} : memref<12x128xf32, #tpu.memory_space<vmem>>, vector<16xf32>,
    tpu.vector_store %arg8[%swap3A_575, %swap3A_576], %get3A_573 {strides = array<i32>} : memref<12x128xf32, #tpu.memory_space<vmem>>, vector<16xf32>,
    %get3A_578 = arith.constant 9 : i32
    %get3A_579 = arith.index_cast %get3A_578 : i32 to index
    %get3A_580 = arith.constant 0 : index
    %get3A_581 = tpu.vector_load %arg6[%get3A_579, %get3A_580] {strides = array<i32>} : memref<12x64xf32, #tpu.memory_space<vmem>>, vector<16xf32>,
    %swap3A_582 = arith.constant 9 : i32
    %swap3A_583 = arith.index_cast %swap3A_582 : i32 to index
    %swap3A_584 = arith.constant 0 : index
    %swap3A_585 = tpu.vector_load %arg8[%swap3A_583, %swap3A_584] {strides = array<i32>} : memref<12x128xf32, #tpu.memory_space<vmem>>, vector<16xf32>,
    tpu.vector_store %arg8[%swap3A_583, %swap3A_584], %get3A_581 {strides = array<i32>} : memref<12x128xf32, #tpu.memory_space<vmem>>, vector<16xf32>,
    %get3A_586 = arith.constant 3 : i32
    %get3A_587 = arith.index_cast %get3A_586 : i32 to index
    %get3A_588 = arith.constant 0 : index
    %get3A_589 = tpu.vector_load %arg7[%get3A_587, %get3A_588] {strides = array<i32>} : memref<4x64xf32, #tpu.memory_space<vmem>>, vector<16xf32>,
    %swap3A_590 = arith.constant 9 : i32
    %swap3A_591 = arith.index_cast %swap3A_590 : i32 to index
    %swap3A_592 = arith.constant 64 : index
    %swap3A_593 = tpu.vector_load %arg8[%swap3A_591, %swap3A_592] {strides = array<i32>} : memref<12x128xf32, #tpu.memory_space<vmem>>, vector<16xf32>,
    tpu.vector_store %arg8[%swap3A_591, %swap3A_592], %get3A_589 {strides = array<i32>} : memref<12x128xf32, #tpu.memory_space<vmem>>, vector<16xf32>,
    %get3A_594 = arith.constant 9 : i32
    %get3A_595 = arith.index_cast %get3A_594 : i32 to index
    %get3A_596 = arith.constant 16 : index
    %get3A_597 = tpu.vector_load %arg6[%get3A_595, %get3A_596] {strides = array<i32>} : memref<12x64xf32, #tpu.memory_space<vmem>>, vector<16xf32>,
    %swap3A_598 = arith.constant 9 : i32
    %swap3A_599 = arith.index_cast %swap3A_598 : i32 to index
    %swap3A_600 = arith.constant 16 : index
    %swap3A_601 = tpu.vector_load %arg8[%swap3A_599, %swap3A_600] {strides = array<i32>} : memref<12x128xf32, #tpu.memory_space<vmem>>, vector<16xf32>,
    tpu.vector_store %arg8[%swap3A_599, %swap3A_600], %get3A_597 {strides = array<i32>} : memref<12x128xf32, #tpu.memory_space<vmem>>, vector<16xf32>,
    %get3A_602 = arith.constant 3 : i32
    %get3A_603 = arith.index_cast %get3A_602 : i32 to index
    %get3A_604 = arith.constant 16 : index
    %get3A_605 = tpu.vector_load %arg7[%get3A_603, %get3A_604] {strides = array<i32>} : memref<4x64xf32, #tpu.memory_space<vmem>>, vector<16xf32>,
    %swap3A_606 = arith.constant 9 : i32
    %swap3A_607 = arith.index_cast %swap3A_606 : i32 to index
    %swap3A_608 = arith.constant 80 : index
    %swap3A_609 = tpu.vector_load %arg8[%swap3A_607, %swap3A_608] {strides = array<i32>} : memref<12x128xf32, #tpu.memory_space<vmem>>, vector<16xf32>,
    tpu.vector_store %arg8[%swap3A_607, %swap3A_608], %get3A_605 {strides = array<i32>} : memref<12x128xf32, #tpu.memory_space<vmem>>, vector<16xf32>,
    %get3A_610 = arith.constant 9 : i32
    %get3A_611 = arith.index_cast %get3A_610 : i32 to index
    %get3A_612 = arith.constant 32 : index
    %get3A_613 = tpu.vector_load %arg6[%get3A_611, %get3A_612] {strides = array<i32>} : memref<12x64xf32, #tpu.memory_space<vmem>>, vector<16xf32>,
    %swap3A_614 = arith.constant 9 : i32
    %swap3A_615 = arith.index_cast %swap3A_614 : i32 to index
    %swap3A_616 = arith.constant 32 : index
    %swap3A_617 = tpu.vector_load %arg8[%swap3A_615, %swap3A_616] {strides = array<i32>} : memref<12x128xf32, #tpu.memory_space<vmem>>, vector<16xf32>,
    tpu.vector_store %arg8[%swap3A_615, %swap3A_616], %get3A_613 {strides = array<i32>} : memref<12x128xf32, #tpu.memory_space<vmem>>, vector<16xf32>,
    %get3A_618 = arith.constant 3 : i32
    %get3A_619 = arith.index_cast %get3A_618 : i32 to index
    %get3A_620 = arith.constant 32 : index
    %get3A_621 = tpu.vector_load %arg7[%get3A_619, %get3A_620] {strides = array<i32>} : memref<4x64xf32, #tpu.memory_space<vmem>>, vector<16xf32>,
    %swap3A_622 = arith.constant 9 : i32
    %swap3A_623 = arith.index_cast %swap3A_622 : i32 to index
    %swap3A_624 = arith.constant 96 : index
    %swap3A_625 = tpu.vector_load %arg8[%swap3A_623, %swap3A_624] {strides = array<i32>} : memref<12x128xf32, #tpu.memory_space<vmem>>, vector<16xf32>,
    tpu.vector_store %arg8[%swap3A_623, %swap3A_624], %get3A_621 {strides = array<i32>} : memref<12x128xf32, #tpu.memory_space<vmem>>, vector<16xf32>,
    %get3A_626 = arith.constant 9 : i32
    %get3A_627 = arith.index_cast %get3A_626 : i32 to index
    %get3A_628 = arith.constant 48 : index
    %get3A_629 = tpu.vector_load %arg6[%get3A_627, %get3A_628] {strides = array<i32>} : memref<12x64xf32, #tpu.memory_space<vmem>>, vector<16xf32>,
    %swap3A_630 = arith.constant 9 : i32
    %swap3A_631 = arith.index_cast %swap3A_630 : i32 to index
    %swap3A_632 = arith.constant 48 : index
    %swap3A_633 = tpu.vector_load %arg8[%swap3A_631, %swap3A_632] {strides = array<i32>} : memref<12x128xf32, #tpu.memory_space<vmem>>, vector<16xf32>,
    tpu.vector_store %arg8[%swap3A_631, %swap3A_632], %get3A_629 {strides = array<i32>} : memref<12x128xf32, #tpu.memory_space<vmem>>, vector<16xf32>,
    %get3A_634 = arith.constant 3 : i32
    %get3A_635 = arith.index_cast %get3A_634 : i32 to index
    %get3A_636 = arith.constant 48 : index
    %get3A_637 = tpu.vector_load %arg7[%get3A_635, %get3A_636] {strides = array<i32>} : memref<4x64xf32, #tpu.memory_space<vmem>>, vector<16xf32>,
    %swap3A_638 = arith.constant 9 : i32
    %swap3A_639 = arith.index_cast %swap3A_638 : i32 to index
    %swap3A_640 = arith.constant 112 : index
    %swap3A_641 = tpu.vector_load %arg8[%swap3A_639, %swap3A_640] {strides = array<i32>} : memref<12x128xf32, #tpu.memory_space<vmem>>, vector<16xf32>,
    tpu.vector_store %arg8[%swap3A_639, %swap3A_640], %get3A_637 {strides = array<i32>} : memref<12x128xf32, #tpu.memory_space<vmem>>, vector<16xf32>,
    %get3A_642 = arith.constant 10 : i32
    %get3A_643 = arith.index_cast %get3A_642 : i32 to index
    %get3A_644 = arith.constant 0 : index
    %get3A_645 = tpu.vector_load %arg6[%get3A_643, %get3A_644] {strides = array<i32>} : memref<12x64xf32, #tpu.memory_space<vmem>>, vector<16xf32>,
    %swap3A_646 = arith.constant 10 : i32
    %swap3A_647 = arith.index_cast %swap3A_646 : i32 to index
    %swap3A_648 = arith.constant 0 : index
    %swap3A_649 = tpu.vector_load %arg8[%swap3A_647, %swap3A_648] {strides = array<i32>} : memref<12x128xf32, #tpu.memory_space<vmem>>, vector<16xf32>,
    tpu.vector_store %arg8[%swap3A_647, %swap3A_648], %get3A_645 {strides = array<i32>} : memref<12x128xf32, #tpu.memory_space<vmem>>, vector<16xf32>,
    %get3A_650 = arith.constant 3 : i32
    %get3A_651 = arith.index_cast %get3A_650 : i32 to index
    %get3A_652 = arith.constant 0 : index
    %get3A_653 = tpu.vector_load %arg7[%get3A_651, %get3A_652] {strides = array<i32>} : memref<4x64xf32, #tpu.memory_space<vmem>>, vector<16xf32>,
    %swap3A_654 = arith.constant 10 : i32
    %swap3A_655 = arith.index_cast %swap3A_654 : i32 to index
    %swap3A_656 = arith.constant 64 : index
    %swap3A_657 = tpu.vector_load %arg8[%swap3A_655, %swap3A_656] {strides = array<i32>} : memref<12x128xf32, #tpu.memory_space<vmem>>, vector<16xf32>,
    tpu.vector_store %arg8[%swap3A_655, %swap3A_656], %get3A_653 {strides = array<i32>} : memref<12x128xf32, #tpu.memory_space<vmem>>, vector<16xf32>,
    %get3A_658 = arith.constant 10 : i32
    %get3A_659 = arith.index_cast %get3A_658 : i32 to index
    %get3A_660 = arith.constant 16 : index
    %get3A_661 = tpu.vector_load %arg6[%get3A_659, %get3A_660] {strides = array<i32>} : memref<12x64xf32, #tpu.memory_space<vmem>>, vector<16xf32>,
    %swap3A_662 = arith.constant 10 : i32
    %swap3A_663 = arith.index_cast %swap3A_662 : i32 to index
    %swap3A_664 = arith.constant 16 : index
    %swap3A_665 = tpu.vector_load %arg8[%swap3A_663, %swap3A_664] {strides = array<i32>} : memref<12x128xf32, #tpu.memory_space<vmem>>, vector<16xf32>,
    tpu.vector_store %arg8[%swap3A_663, %swap3A_664], %get3A_661 {strides = array<i32>} : memref<12x128xf32, #tpu.memory_space<vmem>>, vector<16xf32>,
    %get3A_666 = arith.constant 3 : i32
    %get3A_667 = arith.index_cast %get3A_666 : i32 to index
    %get3A_668 = arith.constant 16 : index
    %get3A_669 = tpu.vector_load %arg7[%get3A_667, %get3A_668] {strides = array<i32>} : memref<4x64xf32, #tpu.memory_space<vmem>>, vector<16xf32>,
    %swap3A_670 = arith.constant 10 : i32
    %swap3A_671 = arith.index_cast %swap3A_670 : i32 to index
    %swap3A_672 = arith.constant 80 : index
    %swap3A_673 = tpu.vector_load %arg8[%swap3A_671, %swap3A_672] {strides = array<i32>} : memref<12x128xf32, #tpu.memory_space<vmem>>, vector<16xf32>,
    tpu.vector_store %arg8[%swap3A_671, %swap3A_672], %get3A_669 {strides = array<i32>} : memref<12x128xf32, #tpu.memory_space<vmem>>, vector<16xf32>,
    %get3A_674 = arith.constant 10 : i32
    %get3A_675 = arith.index_cast %get3A_674 : i32 to index
    %get3A_676 = arith.constant 32 : index
    %get3A_677 = tpu.vector_load %arg6[%get3A_675, %get3A_676] {strides = array<i32>} : memref<12x64xf32, #tpu.memory_space<vmem>>, vector<16xf32>,
    %swap3A_678 = arith.constant 10 : i32
    %swap3A_679 = arith.index_cast %swap3A_678 : i32 to index
    %swap3A_680 = arith.constant 32 : index
    %swap3A_681 = tpu.vector_load %arg8[%swap3A_679, %swap3A_680] {strides = array<i32>} : memref<12x128xf32, #tpu.memory_space<vmem>>, vector<16xf32>,
    tpu.vector_store %arg8[%swap3A_679, %swap3A_680], %get3A_677 {strides = array<i32>} : memref<12x128xf32, #tpu.memory_space<vmem>>, vector<16xf32>,
    %get3A_682 = arith.constant 3 : i32
    %get3A_683 = arith.index_cast %get3A_682 : i32 to index
    %get3A_684 = arith.constant 32 : index
    %get3A_685 = tpu.vector_load %arg7[%get3A_683, %get3A_684] {strides = array<i32>} : memref<4x64xf32, #tpu.memory_space<vmem>>, vector<16xf32>,
    %swap3A_686 = arith.constant 10 : i32
    %swap3A_687 = arith.index_cast %swap3A_686 : i32 to index
    %swap3A_688 = arith.constant 96 : index
    %swap3A_689 = tpu.vector_load %arg8[%swap3A_687, %swap3A_688] {strides = array<i32>} : memref<12x128xf32, #tpu.memory_space<vmem>>, vector<16xf32>,
    tpu.vector_store %arg8[%swap3A_687, %swap3A_688], %get3A_685 {strides = array<i32>} : memref<12x128xf32, #tpu.memory_space<vmem>>, vector<16xf32>,
    %get3A_690 = arith.constant 10 : i32
    %get3A_691 = arith.index_cast %get3A_690 : i32 to index
    %get3A_692 = arith.constant 48 : index
    %get3A_693 = tpu.vector_load %arg6[%get3A_691, %get3A_692] {strides = array<i32>} : memref<12x64xf32, #tpu.memory_space<vmem>>, vector<16xf32>,
    %swap3A_694 = arith.constant 10 : i32
    %swap3A_695 = arith.index_cast %swap3A_694 : i32 to index
    %swap3A_696 = arith.constant 48 : index
    %swap3A_697 = tpu.vector_load %arg8[%swap3A_695, %swap3A_696] {strides = array<i32>} : memref<12x128xf32, #tpu.memory_space<vmem>>, vector<16xf32>,
    tpu.vector_store %arg8[%swap3A_695, %swap3A_696], %get3A_693 {strides = array<i32>} : memref<12x128xf32, #tpu.memory_space<vmem>>, vector<16xf32>,
    %get3A_698 = arith.constant 3 : i32
    %get3A_699 = arith.index_cast %get3A_698 : i32 to index
    %get3A_700 = arith.constant 48 : index
    %get3A_701 = tpu.vector_load %arg7[%get3A_699, %get3A_700] {strides = array<i32>} : memref<4x64xf32, #tpu.memory_space<vmem>>, vector<16xf32>,
    %swap3A_702 = arith.constant 10 : i32
    %swap3A_703 = arith.index_cast %swap3A_702 : i32 to index
    %swap3A_704 = arith.constant 112 : index
    %swap3A_705 = tpu.vector_load %arg8[%swap3A_703, %swap3A_704] {strides = array<i32>} : memref<12x128xf32, #tpu.memory_space<vmem>>, vector<16xf32>,
    tpu.vector_store %arg8[%swap3A_703, %swap3A_704], %get3A_701 {strides = array<i32>} : memref<12x128xf32, #tpu.memory_space<vmem>>, vector<16xf32>,
    %get3A_706 = arith.constant 11 : i32
    %get3A_707 = arith.index_cast %get3A_706 : i32 to index
    %get3A_708 = arith.constant 0 : index
    %get3A_709 = tpu.vector_load %arg6[%get3A_707, %get3A_708] {strides = array<i32>} : memref<12x64xf32, #tpu.memory_space<vmem>>, vector<16xf32>,
    %swap3A_710 = arith.constant 11 : i32
    %swap3A_711 = arith.index_cast %swap3A_710 : i32 to index
    %swap3A_712 = arith.constant 0 : index
    %swap3A_713 = tpu.vector_load %arg8[%swap3A_711, %swap3A_712] {strides = array<i32>} : memref<12x128xf32, #tpu.memory_space<vmem>>, vector<16xf32>,
    tpu.vector_store %arg8[%swap3A_711, %swap3A_712], %get3A_709 {strides = array<i32>} : memref<12x128xf32, #tpu.memory_space<vmem>>, vector<16xf32>,
    %get3A_714 = arith.constant 0 : i32
    %get3A_715 = arith.index_cast %get3A_714 : i32 to index
    %get3A_716 = arith.constant 0 : index
    %get3A_717 = tpu.vector_load %arg7[%get3A_715, %get3A_716] {strides = array<i32>} : memref<4x64xf32, #tpu.memory_space<vmem>>, vector<16xf32>,
    %swap3A_718 = arith.constant 11 : i32
    %swap3A_719 = arith.index_cast %swap3A_718 : i32 to index
    %swap3A_720 = arith.constant 64 : index
    %swap3A_721 = tpu.vector_load %arg8[%swap3A_719, %swap3A_720] {strides = array<i32>} : memref<12x128xf32, #tpu.memory_space<vmem>>, vector<16xf32>,
    tpu.vector_store %arg8[%swap3A_719, %swap3A_720], %get3A_717 {strides = array<i32>} : memref<12x128xf32, #tpu.memory_space<vmem>>, vector<16xf32>,
    %get3A_722 = arith.constant 11 : i32
    %get3A_723 = arith.index_cast %get3A_722 : i32 to index
    %get3A_724 = arith.constant 16 : index
    %get3A_725 = tpu.vector_load %arg6[%get3A_723, %get3A_724] {strides = array<i32>} : memref<12x64xf32, #tpu.memory_space<vmem>>, vector<16xf32>,
    %swap3A_726 = arith.constant 11 : i32
    %swap3A_727 = arith.index_cast %swap3A_726 : i32 to index
    %swap3A_728 = arith.constant 16 : index
    %swap3A_729 = tpu.vector_load %arg8[%swap3A_727, %swap3A_728] {strides = array<i32>} : memref<12x128xf32, #tpu.memory_space<vmem>>, vector<16xf32>,
    tpu.vector_store %arg8[%swap3A_727, %swap3A_728], %get3A_725 {strides = array<i32>} : memref<12x128xf32, #tpu.memory_space<vmem>>, vector<16xf32>,
    %get3A_730 = arith.constant 0 : i32
    %get3A_731 = arith.index_cast %get3A_730 : i32 to index
    %get3A_732 = arith.constant 16 : index
    %get3A_733 = tpu.vector_load %arg7[%get3A_731, %get3A_732] {strides = array<i32>} : memref<4x64xf32, #tpu.memory_space<vmem>>, vector<16xf32>,
    %swap3A_734 = arith.constant 11 : i32
    %swap3A_735 = arith.index_cast %swap3A_734 : i32 to index
    %swap3A_736 = arith.constant 80 : index
    %swap3A_737 = tpu.vector_load %arg8[%swap3A_735, %swap3A_736] {strides = array<i32>} : memref<12x128xf32, #tpu.memory_space<vmem>>, vector<16xf32>,
    tpu.vector_store %arg8[%swap3A_735, %swap3A_736], %get3A_733 {strides = array<i32>} : memref<12x128xf32, #tpu.memory_space<vmem>>, vector<16xf32>,
    %get3A_738 = arith.constant 11 : i32
    %get3A_739 = arith.index_cast %get3A_738 : i32 to index
    %get3A_740 = arith.constant 32 : index
    %get3A_741 = tpu.vector_load %arg6[%get3A_739, %get3A_740] {strides = array<i32>} : memref<12x64xf32, #tpu.memory_space<vmem>>, vector<16xf32>,
    %swap3A_742 = arith.constant 11 : i32
    %swap3A_743 = arith.index_cast %swap3A_742 : i32 to index
    %swap3A_744 = arith.constant 32 : index
    %swap3A_745 = tpu.vector_load %arg8[%swap3A_743, %swap3A_744] {strides = array<i32>} : memref<12x128xf32, #tpu.memory_space<vmem>>, vector<16xf32>,
    tpu.vector_store %arg8[%swap3A_743, %swap3A_744], %get3A_741 {strides = array<i32>} : memref<12x128xf32, #tpu.memory_space<vmem>>, vector<16xf32>,
    %get3A_746 = arith.constant 0 : i32
    %get3A_747 = arith.index_cast %get3A_746 : i32 to index
    %get3A_748 = arith.constant 32 : index
    %get3A_749 = tpu.vector_load %arg7[%get3A_747, %get3A_748] {strides = array<i32>} : memref<4x64xf32, #tpu.memory_space<vmem>>, vector<16xf32>,
    %swap3A_750 = arith.constant 11 : i32
    %swap3A_751 = arith.index_cast %swap3A_750 : i32 to index
    %swap3A_752 = arith.constant 96 : index
    %swap3A_753 = tpu.vector_load %arg8[%swap3A_751, %swap3A_752] {strides = array<i32>} : memref<12x128xf32, #tpu.memory_space<vmem>>, vector<16xf32>,
    tpu.vector_store %arg8[%swap3A_751, %swap3A_752], %get3A_749 {strides = array<i32>} : memref<12x128xf32, #tpu.memory_space<vmem>>, vector<16xf32>,
    %get3A_754 = arith.constant 11 : i32
    %get3A_755 = arith.index_cast %get3A_754 : i32 to index
    %get3A_756 = arith.constant 48 : index
    %get3A_757 = tpu.vector_load %arg6[%get3A_755, %get3A_756] {strides = array<i32>} : memref<12x64xf32, #tpu.memory_space<vmem>>, vector<16xf32>,
    %swap3A_758 = arith.constant 11 : i32
    %swap3A_759 = arith.index_cast %swap3A_758 : i32 to index
    %swap3A_760 = arith.constant 48 : index
    %swap3A_761 = tpu.vector_load %arg8[%swap3A_759, %swap3A_760] {strides = array<i32>} : memref<12x128xf32, #tpu.memory_space<vmem>>, vector<16xf32>,
    tpu.vector_store %arg8[%swap3A_759, %swap3A_760], %get3A_757 {strides = array<i32>} : memref<12x128xf32, #tpu.memory_space<vmem>>, vector<16xf32>,
    %get3A_762 = arith.constant 0 : i32
    %get3A_763 = arith.index_cast %get3A_762 : i32 to index
    %get3A_764 = arith.constant 48 : index
    %get3A_765 = tpu.vector_load %arg7[%get3A_763, %get3A_764] {strides = array<i32>} : memref<4x64xf32, #tpu.memory_space<vmem>>, vector<16xf32>,
    %swap3A_766 = arith.constant 11 : i32
    %swap3A_767 = arith.index_cast %swap3A_766 : i32 to index
    %swap3A_768 = arith.constant 112 : index
    %swap3A_769 = tpu.vector_load %arg8[%swap3A_767, %swap3A_768] {strides = array<i32>} : memref<12x128xf32, #tpu.memory_space<vmem>>, vector<16xf32>,
    tpu.vector_store %arg8[%swap3A_767, %swap3A_768], %get3A_765 {strides = array<i32>} : memref<12x128xf32, #tpu.memory_space<vmem>>, vector<16xf32>,
    %eq3A = arith.constant 0 : i32
    %eq3A_770 = arith.cmpi eq, %arg1, %eq3A : i32
    %convert_element_type3A = arith.extui %eq3A_770 : i1 to i32
    %cond3A = arith.constant 0 : i32
    %cond3A_771 = arith.cmpi ne, %convert_element_type3A, %cond3A : i32
    scf.if %cond3A_771 {
      "tpu.region"() ({
        %run_scoped3A = tpu.sem_alloc : memref<!tpu.dma_semaphore, #tpu.memory_space<semaphore_mem>>
        tpu.enqueue_dma source(%arg8 : memref<12x128xf32, #tpu.memory_space<vmem>>) target(%arg9 : memref<12x128xf32, #tpu.memory_space<vmem_shared>>) target_semaphore(%run_scoped3A : memref<!tpu.dma_semaphore, #tpu.memory_space<semaphore_mem>>)
        tpu.wait_dma2 semaphore(%run_scoped3A : memref<!tpu.dma_semaphore, #tpu.memory_space<semaphore_mem>>) src(%arg8 : memref<12x128xf32, #tpu.memory_space<vmem>>) dst(%arg9 : memref<12x128xf32, #tpu.memory_space<vmem_shared>>)
        tpu.yield
      }) : () -> ()
    } else {
    }
    %barrier3A = arith.constant 0 : index
    tpu.barrier barrier_id(%barrier3A)
    %dma_wait3A = tpu.memref_slice %arg2[%mul3A_2] : memref<16384xi32, #tpu.memory_space<hbm>> -> memref<512xi32, #tpu.memory_space<hbm>>
    %dma_wait3A_772 = tpu.memref_slice %arg2[%mul3A_2] : memref<16384xi32, #tpu.memory_space<hbm>> -> memref<512xi32, #tpu.memory_space<hbm>>
    tpu.wait_dma2 semaphore(%arg12 : memref<!tpu.dma_semaphore, #tpu.memory_space<semaphore_mem>>) src(%dma_wait3A_772 : memref<512xi32, #tpu.memory_space<hbm>>) dst(%arg10 : memref<512xi32, #tpu.memory_space<vmem>>)
    %dma_start3A_773 = arith.constant 0 : i32
    %dma_start3A_774 = arith.constant 0 : i32
    %dma_start3A_775 = tpu.memref_slice %arg11[%dma_start3A_773, %dma_start3A_774] : memref<512x128xf32, #tpu.memory_space<vmem>> -> memref<64x128xf32, #tpu.memory_space<vmem>>
    %dma_start3A_776 = arith.constant 0 : i32
    %dma_start3A_777 = tpu.memref_slice %arg10[%dma_start3A_776] : memref<512xi32, #tpu.memory_space<vmem>> -> memref<64xi32, #tpu.memory_space<vmem>>
    %dma_start3A_778 = arith.constant 0 : i32
    %dma_start3A_779 = arith.constant 0 : i32
    %dma_start3A_780 = tpu.memref_slice %arg9[%dma_start3A_778, %dma_start3A_779] : memref<12x128xf32, #tpu.memory_space<vmem_shared>> -> memref<12x128xf32, #tpu.memory_space<vmem_shared>>
    tpu.enqueue_indirect_dma source(%dma_start3A_780 : memref<12x128xf32, #tpu.memory_space<vmem_shared>>) target(%dma_start3A_775 : memref<64x128xf32, #tpu.memory_space<vmem>>) offsets(%dma_start3A_777 : memref<64xi32, #tpu.memory_space<vmem>>) semaphore(%arg15 : memref<!tpu.dma_semaphore, #tpu.memory_space<semaphore_mem>>)
    %dma_start3A_781 = arith.constant 64 : i32
    %dma_start3A_782 = arith.constant 0 : i32
    %dma_start3A_783 = tpu.memref_slice %arg11[%dma_start3A_781, %dma_start3A_782] : memref<512x128xf32, #tpu.memory_space<vmem>> -> memref<64x128xf32, #tpu.memory_space<vmem>>
    %dma_start3A_784 = arith.constant 64 : i32
    %dma_start3A_785 = tpu.memref_slice %arg10[%dma_start3A_784] : memref<512xi32, #tpu.memory_space<vmem>> -> memref<64xi32, #tpu.memory_space<vmem>>
    %dma_start3A_786 = arith.constant 0 : i32
    %dma_start3A_787 = arith.constant 0 : i32
    %dma_start3A_788 = tpu.memref_slice %arg9[%dma_start3A_786, %dma_start3A_787] : memref<12x128xf32, #tpu.memory_space<vmem_shared>> -> memref<12x128xf32, #tpu.memory_space<vmem_shared>>
    tpu.enqueue_indirect_dma source(%dma_start3A_788 : memref<12x128xf32, #tpu.memory_space<vmem_shared>>) target(%dma_start3A_783 : memref<64x128xf32, #tpu.memory_space<vmem>>) offsets(%dma_start3A_785 : memref<64xi32, #tpu.memory_space<vmem>>) semaphore(%arg15 : memref<!tpu.dma_semaphore, #tpu.memory_space<semaphore_mem>>)
    %dma_start3A_789 = arith.constant 128 : i32
    %dma_start3A_790 = arith.constant 0 : i32
    %dma_start3A_791 = tpu.memref_slice %arg11[%dma_start3A_789, %dma_start3A_790] : memref<512x128xf32, #tpu.memory_space<vmem>> -> memref<64x128xf32, #tpu.memory_space<vmem>>
    %dma_start3A_792 = arith.constant 128 : i32
    %dma_start3A_793 = tpu.memref_slice %arg10[%dma_start3A_792] : memref<512xi32, #tpu.memory_space<vmem>> -> memref<64xi32, #tpu.memory_space<vmem>>
    %dma_start3A_794 = arith.constant 0 : i32
    %dma_start3A_795 = arith.constant 0 : i32
    %dma_start3A_796 = tpu.memref_slice %arg9[%dma_start3A_794, %dma_start3A_795] : memref<12x128xf32, #tpu.memory_space<vmem_shared>> -> memref<12x128xf32, #tpu.memory_space<vmem_shared>>
    tpu.enqueue_indirect_dma source(%dma_start3A_796 : memref<12x128xf32, #tpu.memory_space<vmem_shared>>) target(%dma_start3A_791 : memref<64x128xf32, #tpu.memory_space<vmem>>) offsets(%dma_start3A_793 : memref<64xi32, #tpu.memory_space<vmem>>) semaphore(%arg15 : memref<!tpu.dma_semaphore, #tpu.memory_space<semaphore_mem>>)
    %dma_start3A_797 = arith.constant 192 : i32
    %dma_start3A_798 = arith.constant 0 : i32
    %dma_start3A_799 = tpu.memref_slice %arg11[%dma_start3A_797, %dma_start3A_798] : memref<512x128xf32, #tpu.memory_space<vmem>> -> memref<64x128xf32, #tpu.memory_space<vmem>>
    %dma_start3A_800 = arith.constant 192 : i32
    %dma_start3A_801 = tpu.memref_slice %arg10[%dma_start3A_800] : memref<512xi32, #tpu.memory_space<vmem>> -> memref<64xi32, #tpu.memory_space<vmem>>
    %dma_start3A_802 = arith.constant 0 : i32
    %dma_start3A_803 = arith.constant 0 : i32
    %dma_start3A_804 = tpu.memref_slice %arg9[%dma_start3A_802, %dma_start3A_803] : memref<12x128xf32, #tpu.memory_space<vmem_shared>> -> memref<12x128xf32, #tpu.memory_space<vmem_shared>>
    tpu.enqueue_indirect_dma source(%dma_start3A_804 : memref<12x128xf32, #tpu.memory_space<vmem_shared>>) target(%dma_start3A_799 : memref<64x128xf32, #tpu.memory_space<vmem>>) offsets(%dma_start3A_801 : memref<64xi32, #tpu.memory_space<vmem>>) semaphore(%arg15 : memref<!tpu.dma_semaphore, #tpu.memory_space<semaphore_mem>>)
    %dma_start3A_805 = arith.constant 256 : i32
    %dma_start3A_806 = arith.constant 0 : i32
    %dma_start3A_807 = tpu.memref_slice %arg11[%dma_start3A_805, %dma_start3A_806] : memref<512x128xf32, #tpu.memory_space<vmem>> -> memref<64x128xf32, #tpu.memory_space<vmem>>
    %dma_start3A_808 = arith.constant 256 : i32
    %dma_start3A_809 = tpu.memref_slice %arg10[%dma_start3A_808] : memref<512xi32, #tpu.memory_space<vmem>> -> memref<64xi32, #tpu.memory_space<vmem>>
    %dma_start3A_810 = arith.constant 0 : i32
    %dma_start3A_811 = arith.constant 0 : i32
    %dma_start3A_812 = tpu.memref_slice %arg9[%dma_start3A_810, %dma_start3A_811] : memref<12x128xf32, #tpu.memory_space<vmem_shared>> -> memref<12x128xf32, #tpu.memory_space<vmem_shared>>
    tpu.enqueue_indirect_dma source(%dma_start3A_812 : memref<12x128xf32, #tpu.memory_space<vmem_shared>>) target(%dma_start3A_807 : memref<64x128xf32, #tpu.memory_space<vmem>>) offsets(%dma_start3A_809 : memref<64xi32, #tpu.memory_space<vmem>>) semaphore(%arg16 : memref<!tpu.dma_semaphore, #tpu.memory_space<semaphore_mem>>)
    %dma_start3A_813 = arith.constant 320 : i32
    %dma_start3A_814 = arith.constant 0 : i32
    %dma_start3A_815 = tpu.memref_slice %arg11[%dma_start3A_813, %dma_start3A_814] : memref<512x128xf32, #tpu.memory_space<vmem>> -> memref<64x128xf32, #tpu.memory_space<vmem>>
    %dma_start3A_816 = arith.constant 320 : i32
    %dma_start3A_817 = tpu.memref_slice %arg10[%dma_start3A_816] : memref<512xi32, #tpu.memory_space<vmem>> -> memref<64xi32, #tpu.memory_space<vmem>>
    %dma_start3A_818 = arith.constant 0 : i32
    %dma_start3A_819 = arith.constant 0 : i32
    %dma_start3A_820 = tpu.memref_slice %arg9[%dma_start3A_818, %dma_start3A_819] : memref<12x128xf32, #tpu.memory_space<vmem_shared>> -> memref<12x128xf32, #tpu.memory_space<vmem_shared>>
    tpu.enqueue_indirect_dma source(%dma_start3A_820 : memref<12x128xf32, #tpu.memory_space<vmem_shared>>) target(%dma_start3A_815 : memref<64x128xf32, #tpu.memory_space<vmem>>) offsets(%dma_start3A_817 : memref<64xi32, #tpu.memory_space<vmem>>) semaphore(%arg16 : memref<!tpu.dma_semaphore, #tpu.memory_space<semaphore_mem>>)
    %dma_start3A_821 = arith.constant 384 : i32
    %dma_start3A_822 = arith.constant 0 : i32
    %dma_start3A_823 = tpu.memref_slice %arg11[%dma_start3A_821, %dma_start3A_822] : memref<512x128xf32, #tpu.memory_space<vmem>> -> memref<64x128xf32, #tpu.memory_space<vmem>>
    %dma_start3A_824 = arith.constant 384 : i32
    %dma_start3A_825 = tpu.memref_slice %arg10[%dma_start3A_824] : memref<512xi32, #tpu.memory_space<vmem>> -> memref<64xi32, #tpu.memory_space<vmem>>
    %dma_start3A_826 = arith.constant 0 : i32
    %dma_start3A_827 = arith.constant 0 : i32
    %dma_start3A_828 = tpu.memref_slice %arg9[%dma_start3A_826, %dma_start3A_827] : memref<12x128xf32, #tpu.memory_space<vmem_shared>> -> memref<12x128xf32, #tpu.memory_space<vmem_shared>>
    tpu.enqueue_indirect_dma source(%dma_start3A_828 : memref<12x128xf32, #tpu.memory_space<vmem_shared>>) target(%dma_start3A_823 : memref<64x128xf32, #tpu.memory_space<vmem>>) offsets(%dma_start3A_825 : memref<64xi32, #tpu.memory_space<vmem>>) semaphore(%arg16 : memref<!tpu.dma_semaphore, #tpu.memory_space<semaphore_mem>>)
    %dma_start3A_829 = arith.constant 448 : i32
    %dma_start3A_830 = arith.constant 0 : i32
    %dma_start3A_831 = tpu.memref_slice %arg11[%dma_start3A_829, %dma_start3A_830] : memref<512x128xf32, #tpu.memory_space<vmem>> -> memref<64x128xf32, #tpu.memory_space<vmem>>
    %dma_start3A_832 = arith.constant 448 : i32
    %dma_start3A_833 = tpu.memref_slice %arg10[%dma_start3A_832] : memref<512xi32, #tpu.memory_space<vmem>> -> memref<64xi32, #tpu.memory_space<vmem>>
    %dma_start3A_834 = arith.constant 0 : i32
    %dma_start3A_835 = arith.constant 0 : i32
    %dma_start3A_836 = tpu.memref_slice %arg9[%dma_start3A_834, %dma_start3A_835] : memref<12x128xf32, #tpu.memory_space<vmem_shared>> -> memref<12x128xf32, #tpu.memory_space<vmem_shared>>
    tpu.enqueue_indirect_dma source(%dma_start3A_836 : memref<12x128xf32, #tpu.memory_space<vmem_shared>>) target(%dma_start3A_831 : memref<64x128xf32, #tpu.memory_space<vmem>>) offsets(%dma_start3A_833 : memref<64xi32, #tpu.memory_space<vmem>>) semaphore(%arg16 : memref<!tpu.dma_semaphore, #tpu.memory_space<semaphore_mem>>)
    %dma_wait3A_837 = arith.constant 0 : i32
    %dma_wait3A_838 = arith.constant 0 : i32
    %dma_wait3A_839 = tpu.memref_slice %arg11[%dma_wait3A_837, %dma_wait3A_838] : memref<512x128xf32, #tpu.memory_space<vmem>> -> memref<64x128xf32, #tpu.memory_space<vmem>>
    %dma_wait3A_840 = arith.constant 0 : i32
    %dma_wait3A_841 = tpu.memref_slice %arg10[%dma_wait3A_840] : memref<512xi32, #tpu.memory_space<vmem>> -> memref<64xi32, #tpu.memory_space<vmem>>
    %dma_wait3A_842 = arith.constant 0 : i32
    %dma_wait3A_843 = arith.constant 0 : i32
    %dma_wait3A_844 = tpu.memref_slice %arg9[%dma_wait3A_842, %dma_wait3A_843] : memref<12x128xf32, #tpu.memory_space<vmem_shared>> -> memref<12x128xf32, #tpu.memory_space<vmem_shared>>
    tpu.wait_indirect_dma semaphore(%arg15 : memref<!tpu.dma_semaphore, #tpu.memory_space<semaphore_mem>>) src(%dma_wait3A_844 : memref<12x128xf32, #tpu.memory_space<vmem_shared>>) dst(%dma_wait3A_839 : memref<64x128xf32, #tpu.memory_space<vmem>>)
    %dma_wait3A_845 = arith.constant 64 : i32
    %dma_wait3A_846 = arith.constant 0 : i32
    %dma_wait3A_847 = tpu.memref_slice %arg11[%dma_wait3A_845, %dma_wait3A_846] : memref<512x128xf32, #tpu.memory_space<vmem>> -> memref<64x128xf32, #tpu.memory_space<vmem>>
    %dma_wait3A_848 = arith.constant 64 : i32
    %dma_wait3A_849 = tpu.memref_slice %arg10[%dma_wait3A_848] : memref<512xi32, #tpu.memory_space<vmem>> -> memref<64xi32, #tpu.memory_space<vmem>>
    %dma_wait3A_850 = arith.constant 0 : i32
    %dma_wait3A_851 = arith.constant 0 : i32
    %dma_wait3A_852 = tpu.memref_slice %arg9[%dma_wait3A_850, %dma_wait3A_851] : memref<12x128xf32, #tpu.memory_space<vmem_shared>> -> memref<12x128xf32, #tpu.memory_space<vmem_shared>>
    tpu.wait_indirect_dma semaphore(%arg15 : memref<!tpu.dma_semaphore, #tpu.memory_space<semaphore_mem>>) src(%dma_wait3A_852 : memref<12x128xf32, #tpu.memory_space<vmem_shared>>) dst(%dma_wait3A_847 : memref<64x128xf32, #tpu.memory_space<vmem>>)
    %dma_wait3A_853 = arith.constant 128 : i32
    %dma_wait3A_854 = arith.constant 0 : i32
    %dma_wait3A_855 = tpu.memref_slice %arg11[%dma_wait3A_853, %dma_wait3A_854] : memref<512x128xf32, #tpu.memory_space<vmem>> -> memref<64x128xf32, #tpu.memory_space<vmem>>
    %dma_wait3A_856 = arith.constant 128 : i32
    %dma_wait3A_857 = tpu.memref_slice %arg10[%dma_wait3A_856] : memref<512xi32, #tpu.memory_space<vmem>> -> memref<64xi32, #tpu.memory_space<vmem>>
    %dma_wait3A_858 = arith.constant 0 : i32
    %dma_wait3A_859 = arith.constant 0 : i32
    %dma_wait3A_860 = tpu.memref_slice %arg9[%dma_wait3A_858, %dma_wait3A_859] : memref<12x128xf32, #tpu.memory_space<vmem_shared>> -> memref<12x128xf32, #tpu.memory_space<vmem_shared>>
    tpu.wait_indirect_dma semaphore(%arg15 : memref<!tpu.dma_semaphore, #tpu.memory_space<semaphore_mem>>) src(%dma_wait3A_860 : memref<12x128xf32, #tpu.memory_space<vmem_shared>>) dst(%dma_wait3A_855 : memref<64x128xf32, #tpu.memory_space<vmem>>)
    %dma_wait3A_861 = arith.constant 192 : i32
    %dma_wait3A_862 = arith.constant 0 : i32
    %dma_wait3A_863 = tpu.memref_slice %arg11[%dma_wait3A_861, %dma_wait3A_862] : memref<512x128xf32, #tpu.memory_space<vmem>> -> memref<64x128xf32, #tpu.memory_space<vmem>>
    %dma_wait3A_864 = arith.constant 192 : i32
    %dma_wait3A_865 = tpu.memref_slice %arg10[%dma_wait3A_864] : memref<512xi32, #tpu.memory_space<vmem>> -> memref<64xi32, #tpu.memory_space<vmem>>
    %dma_wait3A_866 = arith.constant 0 : i32
    %dma_wait3A_867 = arith.constant 0 : i32
    %dma_wait3A_868 = tpu.memref_slice %arg9[%dma_wait3A_866, %dma_wait3A_867] : memref<12x128xf32, #tpu.memory_space<vmem_shared>> -> memref<12x128xf32, #tpu.memory_space<vmem_shared>>
    tpu.wait_indirect_dma semaphore(%arg15 : memref<!tpu.dma_semaphore, #tpu.memory_space<semaphore_mem>>) src(%dma_wait3A_868 : memref<12x128xf32, #tpu.memory_space<vmem_shared>>) dst(%dma_wait3A_863 : memref<64x128xf32, #tpu.memory_space<vmem>>)
    %add3A_869 = arith.constant 0 : i32
    %add3A_870 = arith.addi %mul3A_2, %add3A_869 : i32
    %dma_start3A_871 = arith.constant 0 : i32
    %dma_start3A_872 = arith.constant 0 : i32
    %dma_start3A_873 = tpu.memref_slice %arg11[%dma_start3A_871, %dma_start3A_872] : memref<512x128xf32, #tpu.memory_space<vmem>> -> memref<64x128xf32, #tpu.memory_space<vmem>>
    %dma_start3A_874 = arith.constant 0 : i32
    %dma_start3A_875 = tpu.memref_slice %arg5[%add3A_870, %dma_start3A_874] : memref<16384x128xf32, #tpu.memory_space<hbm>> -> memref<64x128xf32, #tpu.memory_space<hbm>>
    %dma_start3A_876 = arith.constant 0 : i32
    %dma_start3A_877 = tpu.memref_slice %arg5[%add3A_870, %dma_start3A_876] : memref<16384x128xf32, #tpu.memory_space<hbm>> -> memref<64x128xf32, #tpu.memory_space<hbm>>
    %dma_start3A_878 = arith.constant 0 : i32
    %dma_start3A_879 = arith.constant 0 : i32
    %dma_start3A_880 = tpu.memref_slice %arg11[%dma_start3A_878, %dma_start3A_879] : memref<512x128xf32, #tpu.memory_space<vmem>> -> memref<64x128xf32, #tpu.memory_space<vmem>>
    tpu.enqueue_dma source(%dma_start3A_880 : memref<64x128xf32, #tpu.memory_space<vmem>>) target(%dma_start3A_877 : memref<64x128xf32, #tpu.memory_space<hbm>>) target_semaphore(%arg17 : memref<!tpu.dma_semaphore, #tpu.memory_space<semaphore_mem>>)
    %add3A_881 = arith.constant 64 : i32
    %add3A_882 = arith.addi %mul3A_2, %add3A_881 : i32
    %dma_start3A_883 = arith.constant 64 : i32
    %dma_start3A_884 = arith.constant 0 : i32
    %dma_start3A_885 = tpu.memref_slice %arg11[%dma_start3A_883, %dma_start3A_884] : memref<512x128xf32, #tpu.memory_space<vmem>> -> memref<64x128xf32, #tpu.memory_space<vmem>>
    %dma_start3A_886 = arith.constant 0 : i32
    %dma_start3A_887 = tpu.memref_slice %arg5[%add3A_882, %dma_start3A_886] : memref<16384x128xf32, #tpu.memory_space<hbm>> -> memref<64x128xf32, #tpu.memory_space<hbm>>
    %dma_start3A_888 = arith.constant 0 : i32
    %dma_start3A_889 = tpu.memref_slice %arg5[%add3A_882, %dma_start3A_888] : memref<16384x128xf32, #tpu.memory_space<hbm>> -> memref<64x128xf32, #tpu.memory_space<hbm>>
    %dma_start3A_890 = arith.constant 64 : i32
    %dma_start3A_891 = arith.constant 0 : i32
    %dma_start3A_892 = tpu.memref_slice %arg11[%dma_start3A_890, %dma_start3A_891] : memref<512x128xf32, #tpu.memory_space<vmem>> -> memref<64x128xf32, #tpu.memory_space<vmem>>
    tpu.enqueue_dma source(%dma_start3A_892 : memref<64x128xf32, #tpu.memory_space<vmem>>) target(%dma_start3A_889 : memref<64x128xf32, #tpu.memory_space<hbm>>) target_semaphore(%arg17 : memref<!tpu.dma_semaphore, #tpu.memory_space<semaphore_mem>>)
    %add3A_893 = arith.constant 128 : i32
    %add3A_894 = arith.addi %mul3A_2, %add3A_893 : i32
    %dma_start3A_895 = arith.constant 128 : i32
    %dma_start3A_896 = arith.constant 0 : i32
    %dma_start3A_897 = tpu.memref_slice %arg11[%dma_start3A_895, %dma_start3A_896] : memref<512x128xf32, #tpu.memory_space<vmem>> -> memref<64x128xf32, #tpu.memory_space<vmem>>
    %dma_start3A_898 = arith.constant 0 : i32
    %dma_start3A_899 = tpu.memref_slice %arg5[%add3A_894, %dma_start3A_898] : memref<16384x128xf32, #tpu.memory_space<hbm>> -> memref<64x128xf32, #tpu.memory_space<hbm>>
    %dma_start3A_900 = arith.constant 0 : i32
    %dma_start3A_901 = tpu.memref_slice %arg5[%add3A_894, %dma_start3A_900] : memref<16384x128xf32, #tpu.memory_space<hbm>> -> memref<64x128xf32, #tpu.memory_space<hbm>>
    %dma_start3A_902 = arith.constant 128 : i32
    %dma_start3A_903 = arith.constant 0 : i32
    %dma_start3A_904 = tpu.memref_slice %arg11[%dma_start3A_902, %dma_start3A_903] : memref<512x128xf32, #tpu.memory_space<vmem>> -> memref<64x128xf32, #tpu.memory_space<vmem>>
    tpu.enqueue_dma source(%dma_start3A_904 : memref<64x128xf32, #tpu.memory_space<vmem>>) target(%dma_start3A_901 : memref<64x128xf32, #tpu.memory_space<hbm>>) target_semaphore(%arg17 : memref<!tpu.dma_semaphore, #tpu.memory_space<semaphore_mem>>)
    %add3A_905 = arith.constant 192 : i32
    %add3A_906 = arith.addi %mul3A_2, %add3A_905 : i32
    %dma_start3A_907 = arith.constant 192 : i32
    %dma_start3A_908 = arith.constant 0 : i32
    %dma_start3A_909 = tpu.memref_slice %arg11[%dma_start3A_907, %dma_start3A_908] : memref<512x128xf32, #tpu.memory_space<vmem>> -> memref<64x128xf32, #tpu.memory_space<vmem>>
    %dma_start3A_910 = arith.constant 0 : i32
    %dma_start3A_911 = tpu.memref_slice %arg5[%add3A_906, %dma_start3A_910] : memref<16384x128xf32, #tpu.memory_space<hbm>> -> memref<64x128xf32, #tpu.memory_space<hbm>>
    %dma_start3A_912 = arith.constant 0 : i32
    %dma_start3A_913 = tpu.memref_slice %arg5[%add3A_906, %dma_start3A_912] : memref<16384x128xf32, #tpu.memory_space<hbm>> -> memref<64x128xf32, #tpu.memory_space<hbm>>
    %dma_start3A_914 = arith.constant 192 : i32
    %dma_start3A_915 = arith.constant 0 : i32
    %dma_start3A_916 = tpu.memref_slice %arg11[%dma_start3A_914, %dma_start3A_915] : memref<512x128xf32, #tpu.memory_space<vmem>> -> memref<64x128xf32, #tpu.memory_space<vmem>>
    tpu.enqueue_dma source(%dma_start3A_916 : memref<64x128xf32, #tpu.memory_space<vmem>>) target(%dma_start3A_913 : memref<64x128xf32, #tpu.memory_space<hbm>>) target_semaphore(%arg17 : memref<!tpu.dma_semaphore, #tpu.memory_space<semaphore_mem>>)
    %dma_wait3A_917 = arith.constant 256 : i32
    %dma_wait3A_918 = arith.constant 0 : i32
    %dma_wait3A_919 = tpu.memref_slice %arg11[%dma_wait3A_917, %dma_wait3A_918] : memref<512x128xf32, #tpu.memory_space<vmem>> -> memref<64x128xf32, #tpu.memory_space<vmem>>
    %dma_wait3A_920 = arith.constant 256 : i32
    %dma_wait3A_921 = tpu.memref_slice %arg10[%dma_wait3A_920] : memref<512xi32, #tpu.memory_space<vmem>> -> memref<64xi32, #tpu.memory_space<vmem>>
    %dma_wait3A_922 = arith.constant 0 : i32
    %dma_wait3A_923 = arith.constant 0 : i32
    %dma_wait3A_924 = tpu.memref_slice %arg9[%dma_wait3A_922, %dma_wait3A_923] : memref<12x128xf32, #tpu.memory_space<vmem_shared>> -> memref<12x128xf32, #tpu.memory_space<vmem_shared>>
    tpu.wait_indirect_dma semaphore(%arg16 : memref<!tpu.dma_semaphore, #tpu.memory_space<semaphore_mem>>) src(%dma_wait3A_924 : memref<12x128xf32, #tpu.memory_space<vmem_shared>>) dst(%dma_wait3A_919 : memref<64x128xf32, #tpu.memory_space<vmem>>)
    %dma_wait3A_925 = arith.constant 320 : i32
    %dma_wait3A_926 = arith.constant 0 : i32
    %dma_wait3A_927 = tpu.memref_slice %arg11[%dma_wait3A_925, %dma_wait3A_926] : memref<512x128xf32, #tpu.memory_space<vmem>> -> memref<64x128xf32, #tpu.memory_space<vmem>>
    %dma_wait3A_928 = arith.constant 320 : i32
    %dma_wait3A_929 = tpu.memref_slice %arg10[%dma_wait3A_928] : memref<512xi32, #tpu.memory_space<vmem>> -> memref<64xi32, #tpu.memory_space<vmem>>
    %dma_wait3A_930 = arith.constant 0 : i32
    %dma_wait3A_931 = arith.constant 0 : i32
    %dma_wait3A_932 = tpu.memref_slice %arg9[%dma_wait3A_930, %dma_wait3A_931] : memref<12x128xf32, #tpu.memory_space<vmem_shared>> -> memref<12x128xf32, #tpu.memory_space<vmem_shared>>
    tpu.wait_indirect_dma semaphore(%arg16 : memref<!tpu.dma_semaphore, #tpu.memory_space<semaphore_mem>>) src(%dma_wait3A_932 : memref<12x128xf32, #tpu.memory_space<vmem_shared>>) dst(%dma_wait3A_927 : memref<64x128xf32, #tpu.memory_space<vmem>>)
    %dma_wait3A_933 = arith.constant 384 : i32
    %dma_wait3A_934 = arith.constant 0 : i32
    %dma_wait3A_935 = tpu.memref_slice %arg11[%dma_wait3A_933, %dma_wait3A_934] : memref<512x128xf32, #tpu.memory_space<vmem>> -> memref<64x128xf32, #tpu.memory_space<vmem>>
    %dma_wait3A_936 = arith.constant 384 : i32
    %dma_wait3A_937 = tpu.memref_slice %arg10[%dma_wait3A_936] : memref<512xi32, #tpu.memory_space<vmem>> -> memref<64xi32, #tpu.memory_space<vmem>>
    %dma_wait3A_938 = arith.constant 0 : i32
    %dma_wait3A_939 = arith.constant 0 : i32
    %dma_wait3A_940 = tpu.memref_slice %arg9[%dma_wait3A_938, %dma_wait3A_939] : memref<12x128xf32, #tpu.memory_space<vmem_shared>> -> memref<12x128xf32, #tpu.memory_space<vmem_shared>>
    tpu.wait_indirect_dma semaphore(%arg16 : memref<!tpu.dma_semaphore, #tpu.memory_space<semaphore_mem>>) src(%dma_wait3A_940 : memref<12x128xf32, #tpu.memory_space<vmem_shared>>) dst(%dma_wait3A_935 : memref<64x128xf32, #tpu.memory_space<vmem>>)
    %dma_wait3A_941 = arith.constant 448 : i32
    %dma_wait3A_942 = arith.constant 0 : i32
    %dma_wait3A_943 = tpu.memref_slice %arg11[%dma_wait3A_941, %dma_wait3A_942] : memref<512x128xf32, #tpu.memory_space<vmem>> -> memref<64x128xf32, #tpu.memory_space<vmem>>
    %dma_wait3A_944 = arith.constant 448 : i32
    %dma_wait3A_945 = tpu.memref_slice %arg10[%dma_wait3A_944] : memref<512xi32, #tpu.memory_space<vmem>> -> memref<64xi32, #tpu.memory_space<vmem>>
    %dma_wait3A_946 = arith.constant 0 : i32
    %dma_wait3A_947 = arith.constant 0 : i32
    %dma_wait3A_948 = tpu.memref_slice %arg9[%dma_wait3A_946, %dma_wait3A_947] : memref<12x128xf32, #tpu.memory_space<vmem_shared>> -> memref<12x128xf32, #tpu.memory_space<vmem_shared>>
    tpu.wait_indirect_dma semaphore(%arg16 : memref<!tpu.dma_semaphore, #tpu.memory_space<semaphore_mem>>) src(%dma_wait3A_948 : memref<12x128xf32, #tpu.memory_space<vmem_shared>>) dst(%dma_wait3A_943 : memref<64x128xf32, #tpu.memory_space<vmem>>)
    %add3A_949 = arith.constant 256 : i32
    %add3A_950 = arith.addi %mul3A_2, %add3A_949 : i32
    %dma_start3A_951 = arith.constant 256 : i32
    %dma_start3A_952 = arith.constant 0 : i32
    %dma_start3A_953 = tpu.memref_slice %arg11[%dma_start3A_951, %dma_start3A_952] : memref<512x128xf32, #tpu.memory_space<vmem>> -> memref<64x128xf32, #tpu.memory_space<vmem>>
    %dma_start3A_954 = arith.constant 0 : i32
    %dma_start3A_955 = tpu.memref_slice %arg5[%add3A_950, %dma_start3A_954] : memref<16384x128xf32, #tpu.memory_space<hbm>> -> memref<64x128xf32, #tpu.memory_space<hbm>>
    %dma_start3A_956 = arith.constant 0 : i32
    %dma_start3A_957 = tpu.memref_slice %arg5[%add3A_950, %dma_start3A_956] : memref<16384x128xf32, #tpu.memory_space<hbm>> -> memref<64x128xf32, #tpu.memory_space<hbm>>
    %dma_start3A_958 = arith.constant 256 : i32
    %dma_start3A_959 = arith.constant 0 : i32
    %dma_start3A_960 = tpu.memref_slice %arg11[%dma_start3A_958, %dma_start3A_959] : memref<512x128xf32, #tpu.memory_space<vmem>> -> memref<64x128xf32, #tpu.memory_space<vmem>>
    tpu.enqueue_dma source(%dma_start3A_960 : memref<64x128xf32, #tpu.memory_space<vmem>>) target(%dma_start3A_957 : memref<64x128xf32, #tpu.memory_space<hbm>>) target_semaphore(%arg17 : memref<!tpu.dma_semaphore, #tpu.memory_space<semaphore_mem>>)
    %add3A_961 = arith.constant 320 : i32
    %add3A_962 = arith.addi %mul3A_2, %add3A_961 : i32
    %dma_start3A_963 = arith.constant 320 : i32
    %dma_start3A_964 = arith.constant 0 : i32
    %dma_start3A_965 = tpu.memref_slice %arg11[%dma_start3A_963, %dma_start3A_964] : memref<512x128xf32, #tpu.memory_space<vmem>> -> memref<64x128xf32, #tpu.memory_space<vmem>>
    %dma_start3A_966 = arith.constant 0 : i32
    %dma_start3A_967 = tpu.memref_slice %arg5[%add3A_962, %dma_start3A_966] : memref<16384x128xf32, #tpu.memory_space<hbm>> -> memref<64x128xf32, #tpu.memory_space<hbm>>
    %dma_start3A_968 = arith.constant 0 : i32
    %dma_start3A_969 = tpu.memref_slice %arg5[%add3A_962, %dma_start3A_968] : memref<16384x128xf32, #tpu.memory_space<hbm>> -> memref<64x128xf32, #tpu.memory_space<hbm>>
    %dma_start3A_970 = arith.constant 320 : i32
    %dma_start3A_971 = arith.constant 0 : i32
    %dma_start3A_972 = tpu.memref_slice %arg11[%dma_start3A_970, %dma_start3A_971] : memref<512x128xf32, #tpu.memory_space<vmem>> -> memref<64x128xf32, #tpu.memory_space<vmem>>
    tpu.enqueue_dma source(%dma_start3A_972 : memref<64x128xf32, #tpu.memory_space<vmem>>) target(%dma_start3A_969 : memref<64x128xf32, #tpu.memory_space<hbm>>) target_semaphore(%arg17 : memref<!tpu.dma_semaphore, #tpu.memory_space<semaphore_mem>>)
    %add3A_973 = arith.constant 384 : i32
    %add3A_974 = arith.addi %mul3A_2, %add3A_973 : i32
    %dma_start3A_975 = arith.constant 384 : i32
    %dma_start3A_976 = arith.constant 0 : i32
    %dma_start3A_977 = tpu.memref_slice %arg11[%dma_start3A_975, %dma_start3A_976] : memref<512x128xf32, #tpu.memory_space<vmem>> -> memref<64x128xf32, #tpu.memory_space<vmem>>
    %dma_start3A_978 = arith.constant 0 : i32
    %dma_start3A_979 = tpu.memref_slice %arg5[%add3A_974, %dma_start3A_978] : memref<16384x128xf32, #tpu.memory_space<hbm>> -> memref<64x128xf32, #tpu.memory_space<hbm>>
    %dma_start3A_980 = arith.constant 0 : i32
    %dma_start3A_981 = tpu.memref_slice %arg5[%add3A_974, %dma_start3A_980] : memref<16384x128xf32, #tpu.memory_space<hbm>> -> memref<64x128xf32, #tpu.memory_space<hbm>>
    %dma_start3A_982 = arith.constant 384 : i32
    %dma_start3A_983 = arith.constant 0 : i32
    %dma_start3A_984 = tpu.memref_slice %arg11[%dma_start3A_982, %dma_start3A_983] : memref<512x128xf32, #tpu.memory_space<vmem>> -> memref<64x128xf32, #tpu.memory_space<vmem>>
    tpu.enqueue_dma source(%dma_start3A_984 : memref<64x128xf32, #tpu.memory_space<vmem>>) target(%dma_start3A_981 : memref<64x128xf32, #tpu.memory_space<hbm>>) target_semaphore(%arg17 : memref<!tpu.dma_semaphore, #tpu.memory_space<semaphore_mem>>)
    %add3A_985 = arith.constant 448 : i32
    %add3A_986 = arith.addi %mul3A_2, %add3A_985 : i32
    %dma_start3A_987 = arith.constant 448 : i32
    %dma_start3A_988 = arith.constant 0 : i32
    %dma_start3A_989 = tpu.memref_slice %arg11[%dma_start3A_987, %dma_start3A_988] : memref<512x128xf32, #tpu.memory_space<vmem>> -> memref<64x128xf32, #tpu.memory_space<vmem>>
    %dma_start3A_990 = arith.constant 0 : i32
    %dma_start3A_991 = tpu.memref_slice %arg5[%add3A_986, %dma_start3A_990] : memref<16384x128xf32, #tpu.memory_space<hbm>> -> memref<64x128xf32, #tpu.memory_space<hbm>>
    %dma_start3A_992 = arith.constant 0 : i32
    %dma_start3A_993 = tpu.memref_slice %arg5[%add3A_986, %dma_start3A_992] : memref<16384x128xf32, #tpu.memory_space<hbm>> -> memref<64x128xf32, #tpu.memory_space<hbm>>
    %dma_start3A_994 = arith.constant 448 : i32
    %dma_start3A_995 = arith.constant 0 : i32
    %dma_start3A_996 = tpu.memref_slice %arg11[%dma_start3A_994, %dma_start3A_995] : memref<512x128xf32, #tpu.memory_space<vmem>> -> memref<64x128xf32, #tpu.memory_space<vmem>>
    tpu.enqueue_dma source(%dma_start3A_996 : memref<64x128xf32, #tpu.memory_space<vmem>>) target(%dma_start3A_993 : memref<64x128xf32, #tpu.memory_space<hbm>>) target_semaphore(%arg17 : memref<!tpu.dma_semaphore, #tpu.memory_space<semaphore_mem>>)
    %dma_wait3A_997 = arith.constant 0 : i32
    %dma_wait3A_998 = arith.constant 0 : i32
    %dma_wait3A_999 = tpu.memref_slice %arg11[%dma_wait3A_997, %dma_wait3A_998] : memref<512x128xf32, #tpu.memory_space<vmem>> -> memref<64x128xf32, #tpu.memory_space<vmem>>
    %dma_wait3A_1000 = arith.constant 0 : i32
    %dma_wait3A_1001 = tpu.memref_slice %arg5[%add3A_870, %dma_wait3A_1000] : memref<16384x128xf32, #tpu.memory_space<hbm>> -> memref<64x128xf32, #tpu.memory_space<hbm>>
    %dma_wait3A_1002 = arith.constant 0 : i32
    %dma_wait3A_1003 = tpu.memref_slice %arg5[%add3A_870, %dma_wait3A_1002] : memref<16384x128xf32, #tpu.memory_space<hbm>> -> memref<64x128xf32, #tpu.memory_space<hbm>>
    %dma_wait3A_1004 = arith.constant 0 : i32
    %dma_wait3A_1005 = arith.constant 0 : i32
    %dma_wait3A_1006 = tpu.memref_slice %arg11[%dma_wait3A_1004, %dma_wait3A_1005] : memref<512x128xf32, #tpu.memory_space<vmem>> -> memref<64x128xf32, #tpu.memory_space<vmem>>
    tpu.wait_dma2 semaphore(%arg17 : memref<!tpu.dma_semaphore, #tpu.memory_space<semaphore_mem>>) src(%dma_wait3A_1006 : memref<64x128xf32, #tpu.memory_space<vmem>>) dst(%dma_wait3A_1003 : memref<64x128xf32, #tpu.memory_space<hbm>>)
    %dma_wait3A_1007 = arith.constant 64 : i32
    %dma_wait3A_1008 = arith.constant 0 : i32
    %dma_wait3A_1009 = tpu.memref_slice %arg11[%dma_wait3A_1007, %dma_wait3A_1008] : memref<512x128xf32, #tpu.memory_space<vmem>> -> memref<64x128xf32, #tpu.memory_space<vmem>>
    %dma_wait3A_1010 = arith.constant 0 : i32
    %dma_wait3A_1011 = tpu.memref_slice %arg5[%add3A_882, %dma_wait3A_1010] : memref<16384x128xf32, #tpu.memory_space<hbm>> -> memref<64x128xf32, #tpu.memory_space<hbm>>
    %dma_wait3A_1012 = arith.constant 0 : i32
    %dma_wait3A_1013 = tpu.memref_slice %arg5[%add3A_882, %dma_wait3A_1012] : memref<16384x128xf32, #tpu.memory_space<hbm>> -> memref<64x128xf32, #tpu.memory_space<hbm>>
    %dma_wait3A_1014 = arith.constant 64 : i32
    %dma_wait3A_1015 = arith.constant 0 : i32
    %dma_wait3A_1016 = tpu.memref_slice %arg11[%dma_wait3A_1014, %dma_wait3A_1015] : memref<512x128xf32, #tpu.memory_space<vmem>> -> memref<64x128xf32, #tpu.memory_space<vmem>>
    tpu.wait_dma2 semaphore(%arg17 : memref<!tpu.dma_semaphore, #tpu.memory_space<semaphore_mem>>) src(%dma_wait3A_1016 : memref<64x128xf32, #tpu.memory_space<vmem>>) dst(%dma_wait3A_1013 : memref<64x128xf32, #tpu.memory_space<hbm>>)
    %dma_wait3A_1017 = arith.constant 128 : i32
    %dma_wait3A_1018 = arith.constant 0 : i32
    %dma_wait3A_1019 = tpu.memref_slice %arg11[%dma_wait3A_1017, %dma_wait3A_1018] : memref<512x128xf32, #tpu.memory_space<vmem>> -> memref<64x128xf32, #tpu.memory_space<vmem>>
    %dma_wait3A_1020 = arith.constant 0 : i32
    %dma_wait3A_1021 = tpu.memref_slice %arg5[%add3A_894, %dma_wait3A_1020] : memref<16384x128xf32, #tpu.memory_space<hbm>> -> memref<64x128xf32, #tpu.memory_space<hbm>>
    %dma_wait3A_1022 = arith.constant 0 : i32
    %dma_wait3A_1023 = tpu.memref_slice %arg5[%add3A_894, %dma_wait3A_1022] : memref<16384x128xf32, #tpu.memory_space<hbm>> -> memref<64x128xf32, #tpu.memory_space<hbm>>
    %dma_wait3A_1024 = arith.constant 128 : i32
    %dma_wait3A_1025 = arith.constant 0 : i32
    %dma_wait3A_1026 = tpu.memref_slice %arg11[%dma_wait3A_1024, %dma_wait3A_1025] : memref<512x128xf32, #tpu.memory_space<vmem>> -> memref<64x128xf32, #tpu.memory_space<vmem>>
    tpu.wait_dma2 semaphore(%arg17 : memref<!tpu.dma_semaphore, #tpu.memory_space<semaphore_mem>>) src(%dma_wait3A_1026 : memref<64x128xf32, #tpu.memory_space<vmem>>) dst(%dma_wait3A_1023 : memref<64x128xf32, #tpu.memory_space<hbm>>)
    %dma_wait3A_1027 = arith.constant 192 : i32
    %dma_wait3A_1028 = arith.constant 0 : i32
    %dma_wait3A_1029 = tpu.memref_slice %arg11[%dma_wait3A_1027, %dma_wait3A_1028] : memref<512x128xf32, #tpu.memory_space<vmem>> -> memref<64x128xf32, #tpu.memory_space<vmem>>
    %dma_wait3A_1030 = arith.constant 0 : i32
    %dma_wait3A_1031 = tpu.memref_slice %arg5[%add3A_906, %dma_wait3A_1030] : memref<16384x128xf32, #tpu.memory_space<hbm>> -> memref<64x128xf32, #tpu.memory_space<hbm>>
    %dma_wait3A_1032 = arith.constant 0 : i32
    %dma_wait3A_1033 = tpu.memref_slice %arg5[%add3A_906, %dma_wait3A_1032] : memref<16384x128xf32, #tpu.memory_space<hbm>> -> memref<64x128xf32, #tpu.memory_space<hbm>>
    %dma_wait3A_1034 = arith.constant 192 : i32
    %dma_wait3A_1035 = arith.constant 0 : i32
    %dma_wait3A_1036 = tpu.memref_slice %arg11[%dma_wait3A_1034, %dma_wait3A_1035] : memref<512x128xf32, #tpu.memory_space<vmem>> -> memref<64x128xf32, #tpu.memory_space<vmem>>
    tpu.wait_dma2 semaphore(%arg17 : memref<!tpu.dma_semaphore, #tpu.memory_space<semaphore_mem>>) src(%dma_wait3A_1036 : memref<64x128xf32, #tpu.memory_space<vmem>>) dst(%dma_wait3A_1033 : memref<64x128xf32, #tpu.memory_space<hbm>>)
    %dma_wait3A_1037 = arith.constant 256 : i32
    %dma_wait3A_1038 = arith.constant 0 : i32
    %dma_wait3A_1039 = tpu.memref_slice %arg11[%dma_wait3A_1037, %dma_wait3A_1038] : memref<512x128xf32, #tpu.memory_space<vmem>> -> memref<64x128xf32, #tpu.memory_space<vmem>>
    %dma_wait3A_1040 = arith.constant 0 : i32
    %dma_wait3A_1041 = tpu.memref_slice %arg5[%add3A_950, %dma_wait3A_1040] : memref<16384x128xf32, #tpu.memory_space<hbm>> -> memref<64x128xf32, #tpu.memory_space<hbm>>
    %dma_wait3A_1042 = arith.constant 0 : i32
    %dma_wait3A_1043 = tpu.memref_slice %arg5[%add3A_950, %dma_wait3A_1042] : memref<16384x128xf32, #tpu.memory_space<hbm>> -> memref<64x128xf32, #tpu.memory_space<hbm>>
    %dma_wait3A_1044 = arith.constant 256 : i32
    %dma_wait3A_1045 = arith.constant 0 : i32
    %dma_wait3A_1046 = tpu.memref_slice %arg11[%dma_wait3A_1044, %dma_wait3A_1045] : memref<512x128xf32, #tpu.memory_space<vmem>> -> memref<64x128xf32, #tpu.memory_space<vmem>>
    tpu.wait_dma2 semaphore(%arg17 : memref<!tpu.dma_semaphore, #tpu.memory_space<semaphore_mem>>) src(%dma_wait3A_1046 : memref<64x128xf32, #tpu.memory_space<vmem>>) dst(%dma_wait3A_1043 : memref<64x128xf32, #tpu.memory_space<hbm>>)
    %dma_wait3A_1047 = arith.constant 320 : i32
    %dma_wait3A_1048 = arith.constant 0 : i32
    %dma_wait3A_1049 = tpu.memref_slice %arg11[%dma_wait3A_1047, %dma_wait3A_1048] : memref<512x128xf32, #tpu.memory_space<vmem>> -> memref<64x128xf32, #tpu.memory_space<vmem>>
    %dma_wait3A_1050 = arith.constant 0 : i32
    %dma_wait3A_1051 = tpu.memref_slice %arg5[%add3A_962, %dma_wait3A_1050] : memref<16384x128xf32, #tpu.memory_space<hbm>> -> memref<64x128xf32, #tpu.memory_space<hbm>>
    %dma_wait3A_1052 = arith.constant 0 : i32
    %dma_wait3A_1053 = tpu.memref_slice %arg5[%add3A_962, %dma_wait3A_1052] : memref<16384x128xf32, #tpu.memory_space<hbm>> -> memref<64x128xf32, #tpu.memory_space<hbm>>
    %dma_wait3A_1054 = arith.constant 320 : i32
    %dma_wait3A_1055 = arith.constant 0 : i32
    %dma_wait3A_1056 = tpu.memref_slice %arg11[%dma_wait3A_1054, %dma_wait3A_1055] : memref<512x128xf32, #tpu.memory_space<vmem>> -> memref<64x128xf32, #tpu.memory_space<vmem>>
    tpu.wait_dma2 semaphore(%arg17 : memref<!tpu.dma_semaphore, #tpu.memory_space<semaphore_mem>>) src(%dma_wait3A_1056 : memref<64x128xf32, #tpu.memory_space<vmem>>) dst(%dma_wait3A_1053 : memref<64x128xf32, #tpu.memory_space<hbm>>)
    %dma_wait3A_1057 = arith.constant 384 : i32
    %dma_wait3A_1058 = arith.constant 0 : i32
    %dma_wait3A_1059 = tpu.memref_slice %arg11[%dma_wait3A_1057, %dma_wait3A_1058] : memref<512x128xf32, #tpu.memory_space<vmem>> -> memref<64x128xf32, #tpu.memory_space<vmem>>
    %dma_wait3A_1060 = arith.constant 0 : i32
    %dma_wait3A_1061 = tpu.memref_slice %arg5[%add3A_974, %dma_wait3A_1060] : memref<16384x128xf32, #tpu.memory_space<hbm>> -> memref<64x128xf32, #tpu.memory_space<hbm>>
    %dma_wait3A_1062 = arith.constant 0 : i32
    %dma_wait3A_1063 = tpu.memref_slice %arg5[%add3A_974, %dma_wait3A_1062] : memref<16384x128xf32, #tpu.memory_space<hbm>> -> memref<64x128xf32, #tpu.memory_space<hbm>>
    %dma_wait3A_1064 = arith.constant 384 : i32
    %dma_wait3A_1065 = arith.constant 0 : i32
    %dma_wait3A_1066 = tpu.memref_slice %arg11[%dma_wait3A_1064, %dma_wait3A_1065] : memref<512x128xf32, #tpu.memory_space<vmem>> -> memref<64x128xf32, #tpu.memory_space<vmem>>
    tpu.wait_dma2 semaphore(%arg17 : memref<!tpu.dma_semaphore, #tpu.memory_space<semaphore_mem>>) src(%dma_wait3A_1066 : memref<64x128xf32, #tpu.memory_space<vmem>>) dst(%dma_wait3A_1063 : memref<64x128xf32, #tpu.memory_space<hbm>>)
    %dma_wait3A_1067 = arith.constant 448 : i32
    %dma_wait3A_1068 = arith.constant 0 : i32
    %dma_wait3A_1069 = tpu.memref_slice %arg11[%dma_wait3A_1067, %dma_wait3A_1068] : memref<512x128xf32, #tpu.memory_space<vmem>> -> memref<64x128xf32, #tpu.memory_space<vmem>>
    %dma_wait3A_1070 = arith.constant 0 : i32
    %dma_wait3A_1071 = tpu.memref_slice %arg5[%add3A_986, %dma_wait3A_1070] : memref<16384x128xf32, #tpu.memory_space<hbm>> -> memref<64x128xf32, #tpu.memory_space<hbm>>
    %dma_wait3A_1072 = arith.constant 0 : i32
    %dma_wait3A_1073 = tpu.memref_slice %arg5[%add3A_986, %dma_wait3A_1072] : memref<16384x128xf32, #tpu.memory_space<hbm>> -> memref<64x128xf32, #tpu.memory_space<hbm>>
    %dma_wait3A_1074 = arith.constant 448 : i32
    %dma_wait3A_1075 = arith.constant 0 : i32
    %dma_wait3A_1076 = tpu.memref_slice %arg11[%dma_wait3A_1074, %dma_wait3A_1075] : memref<512x128xf32, #tpu.memory_space<vmem>> -> memref<64x128xf32, #tpu.memory_space<vmem>>
    tpu.wait_dma2 semaphore(%arg17 : memref<!tpu.dma_semaphore, #tpu.memory_space<semaphore_mem>>) src(%dma_wait3A_1076 : memref<64x128xf32, #tpu.memory_space<vmem>>) dst(%dma_wait3A_1073 : memref<64x128xf32, #tpu.memory_space<hbm>>)
    return
  }
}

</mosaic_0001>

<sc_bundles>
// kernel: _embed.3.cloned.1.call-start
scs
__scs_entry_jumppad:
0x0: {  	(pc) =	sbr.rel $0x88, $3  }
0x1: {  	(tag) =	ssettag $0x0;
	lr =	simm.s32 $0x1  }
0x2: {  	[smem:$0x3F9E] =	sst lr;
	_ =	strace $0xD0000000  }
0x3: {  	_ = 	snop  }
0x4: {  	_ = 	snop  }
0x5: {  	_ = 	snop  }
0x6: {  	_ = 	snop  }
0x7: {  	_ = 	snop  }
__scs_overlays_trampoline_lowered:
0x8: {  	[smem:$0x3FAD] =	sst s0  }
0x9: {  	[smem:$0x3FAE] =	sst s1  }
0xa: {  	[smem:$0x3FAF] =	sst s2  }
0xb: {  	[smem:$0x3FB0] =	sst s3  }
0xc: {  	[smem:$0x3FB1] =	sst s4  }
0xd: {  	[smem:$0x3FB2] =	sst s5  }
0xe: {  	[smem:$0x3FB3] =	sst s6  }
0xf: {  	[smem:$0x3FB4] =	sst s7  }
0x10: {  	[smem:$0x3FB5] =	sst s8  }
0x11: {  	[smem:$0x3FB6] =	sst s9;
	s0 =	simm.s32 @!p0 $0x0  }
0x12: {  	s1 =	sld [smem:$0x3F9C];
	s0 =	simm.s32 @p0 $0x1  }
0x13: {  	[smem:$0x3FB7] =	sst s0;
	s0 =	simm.s32 @!p1 $0x0  }
0x14: {  	s2 =	sld [smem:$0x3F9B];
	s0 =	simm.s32 @p1 $0x1  }
0x15: {  	[smem:$0x3FB8] =	sst s0;
	s0 =	simm.s32 @!p2 $0x0  }
0x16: {  	s3 =	sld [smem:$0x3FDB];
	s0 =	simm.s32 @p2 $0x1  }
0x17: {  	s4 =	simm.s32 $0x1BF5;
	[smem:$0x3FBA] =	sst s0  }
0x18: {  	s0 =	sld [smem:$0x3F9D];
	_ =	swait.ge [sflag:s4], $0x0  }
0x19: {  	s7 =	sld [smem:$0x3F9E]  }
0x1a: {  	s8 =	sadd.s32 $0xFFFFE003, lr  }
0x1b: {  	s9 =	sadd.s32 $0xFFFFFEF7, lr;
	s5 =	simm.s32 $0xFFFFFFFF;
	p2 =	slt.u32 s8, $0xFFFFF086  }
0x1c: {  	p1 =	slt.u32 s9, $0xF7A;
	s5 =	simm.s32 @!p2 $0x0  }
0x1d: {  	s5 =	simm.s32 @p1 $0x1;
	p0 =	seq.s32 s7, s2  }
0x1e: {  	s7 =	smul.u32 @!p0 $0xF7A, s2;
	p2 =	seq.s32 @!p0 s5, $0x0  }
0x1f: {  	s9 =	smul.u32 $0xF7A, s1;
	s8 =	simm.s32 @!p0 $0x1BF5;
	p2 =	por !p2, p0  }
0x20: {  	[sflag:s8] =	ssyncset.s32 @!p0 $0xFFFFF086;
	s6 =	sadd.s32 @!p0 s3, s7;
	s7 =	simm.s32 @!p0 $0x108  }
0x21: {  	s3 =	sadd.s32 s3, s9;
	s6 =	sadd.s32 @!p0 $0x88, s6;
	s7 =	simm.s32 @p2 $0x1082  }
0x22: {  	[simem:s7], [sflag:s8] =	dma.local @!p0 [hbm:s6], $0xF7A  }
0x23: {  	s9 =	sor.u32 $0xD0000000, s2;
	s6 =	simm.s32 $0x108;
	_ =	swait.ge @!p0 [sflag:s8], $0x0  }
0x24: {  	s3 =	sadd.s32 $0x88, s3;
	s6 =	simm.s32 @!p1 $0x1082;
	[sflag:s4] =	ssyncset.s32 $0xFFFFF086  }
0x25: {  	[simem:s6], [sflag:s4] =	dma.local [hbm:s3], $0xF7A  }
0x26: {  	[smem:$0x3F9E] =	sst s1;
	(tag) =	ssettag s2;
	_ =	strace s9  }
0x27: {  	s1 =	sld [smem:$0x3FAE]  }
0x28: {  	s2 =	sld [smem:$0x3FAF]  }
0x29: {  	s4 =	sld [smem:$0x3FB1]  }
0x2a: {  	p0 =	seq.s32 s5, $0x0;
	s5 =	sld [smem:$0x3FB2]  }
0x2b: {  	s6 =	sld [smem:$0x3FB3]  }
0x2c: {  	s7 =	sld [smem:$0x3FB4]  }
0x2d: {  	s3 =	simm.s32 $0x108;
	s8 =	sld [smem:$0x3FB5]  }
0x2e: {  	s3 =	simm.s32 @!p0 $0x1082;
	s9 =	sld [smem:$0x3FB6]  }
0x2f: {  	lr =	sadd.s32 s0, s3;
	s0 =	sld [smem:$0x3FAD]  }
0x30: {  	s3 =	sld [smem:$0x3FB0]  }
0x31: {  	[smem:$0x3FB9] =	sst s10  }
0x32: {  	s10 =	sld [smem:$0x3FB7];
	_ =	sdelay $0x3  }
0x33: {  	p0 =	seq.s32 s10, $0x1;
	s10 =	sld [smem:$0x3FB9];
	_ =	sdelay $0x3  }
0x34: {  	[smem:$0x3FB9] =	sst s10  }
0x35: {  	s10 =	sld [smem:$0x3FB8];
	_ =	sdelay $0x3  }
0x36: {  	p1 =	seq.s32 s10, $0x1;
	s10 =	sld [smem:$0x3FB9];
	_ =	sdelay $0x3  }
0x37: {  	[smem:$0x3FB9] =	sst s10  }
0x38: {  	s10 =	sld [smem:$0x3FBA]  }
0x39: {  	_ = 	snop;
	(pc) =	sbr.ind lr, $3  }
0x3a: {  	_ = 	snop  }
0x3b: {  	_ = 	snop  }
0x3c: {  	p2 =	seq.s32 s10, $0x1;
	s10 =	sld [smem:$0x3FB9]  }
0x3d: {  	_ =	shalt  }
0x3e: {  	_ =	shalt  }
0x3f: {  	_ =	shalt  }
0x40: {  	_ =	shalt  }
0x41: {  	_ =	shalt  }
0x42: {  	_ =	shalt  }
0x43: {  	_ =	shalt  }
0x44: {  	_ =	shalt  }
0x45: {  	_ =	shalt  }
0x46: {  	_ =	shalt  }
0x47: {  	_ =	shalt  }
0x48: {  	_ =	shalt  }
0x49: {  	_ =	shalt  }
0x4a: {  	_ =	shalt  }
0x4b: {  	_ =	shalt  }
0x4c: {  	_ =	shalt  }
0x4d: {  	_ =	shalt  }
0x4e: {  	_ =	shalt  }
0x4f: {  	_ =	shalt  }
0x50: {  	_ =	shalt  }
0x51: {  	_ =	shalt  }
0x52: {  	_ =	shalt  }
0x53: {  	_ =	shalt  }
0x54: {  	_ =	shalt  }
0x55: {  	_ =	shalt  }
0x56: {  	_ =	shalt  }
0x57: {  	_ =	shalt  }
0x58: {  	_ =	shalt  }
0x59: {  	_ =	shalt  }
0x5a: {  	_ =	shalt  }
0x5b: {  	_ =	shalt  }
0x5c: {  	_ =	shalt  }
0x5d: {  	_ =	shalt  }
0x5e: {  	_ =	shalt  }
0x5f: {  	_ =	shalt  }
0x60: {  	_ =	shalt  }
0x61: {  	_ =	shalt  }
0x62: {  	_ =	shalt  }
0x63: {  	_ =	shalt  }
0x64: {  	_ =	shalt  }
0x65: {  	_ =	shalt  }
0x66: {  	_ =	shalt  }
0x67: {  	_ =	shalt  }
0x68: {  	_ =	shalt  }
0x69: {  	_ =	shalt  }
0x6a: {  	_ =	shalt  }
0x6b: {  	_ =	shalt  }
0x6c: {  	_ =	shalt  }
0x6d: {  	_ =	shalt  }
0x6e: {  	_ =	shalt  }
0x6f: {  	_ =	shalt  }
0x70: {  	_ =	shalt  }
0x71: {  	_ =	shalt  }
0x72: {  	_ =	shalt  }
0x73: {  	_ =	shalt  }
0x74: {  	_ =	shalt  }
0x75: {  	_ =	shalt  }
0x76: {  	_ =	shalt  }
0x77: {  	_ =	shalt  }
0x78: {  	_ =	shalt  }
0x79: {  	_ =	shalt  }
0x7a: {  	_ =	shalt  }
0x7b: {  	_ =	shalt  }
0x7c: {  	_ =	shalt  }
0x7d: {  	_ =	shalt  }
0x7e: {  	_ =	shalt  }
0x7f: {  	_ =	shalt  }
0x80: {  	_ =	shalt  }
0x81: {  	_ =	shalt  }
0x82: {  	_ =	shalt  }
0x83: {  	_ =	shalt  }
0x84: {  	_ =	shalt  }
0x85: {  	_ =	shalt  }
0x86: {  	_ =	shalt  }
0x87: {  	_ =	shalt  }
.Lfunc_end0:
.L_simem_size_0:
called_computation_lowered:
.L_overlay_start_0:
0x88: {  	s2 =	sld [smem:$0x3FD9]  }
0x89: {  	s3 =	sld [smem:$0x3FFE];
	_ =	sdelay $0x1  }
0x8a: {  	s1 =	srdreg.scid  }
0x8b: {  	s0 =	sand.u32 $0x1, s1  }
0x8c: {  	s18 =	sshll.u32 s0, $0xA;
	s2 =	sadd.s32 s3, s2  }
0x8d: {  	s2 =	sadd.s32 s2, s18  }
0x8e: {  	[smem:$0x3FC5] =	sst s2  }
0x8f: {  	_ = 	snop  }
0x90: {  	s2 =	sld [smem:$0x3FC9]  }
0x91: {  	s19 =	sld [smem:$0x3FC8]  }
0x92: {  	s4 =	sld [smem:$0x3FC7]  }
0x93: {  	s5 =	sld [smem:$0x3FD0];
	(tm) =	ssettm $0x1  }
0x94: {  	s6 =	sld [smem:$0x3FFB];
	_ =	sdelay $0x3  }
0x95: {  	_ =	strace s6  }
0x96: {  	s6 =	sld [smem:$0x3FFC];
	_ =	sdelay $0x3  }
0x97: {  	_ =	strace s6  }
0x98: {  	s6 =	sld [smem:$0x3FFD];
	_ =	sdelay $0x3  }
0x99: {  	_ =	strace s6  }
0x9a: {  	_ =	strace $0x8FFFFFFF  }
0x9b: {  	s20 =	sld [smem:$0x3FDB];
	_ =	sdelay $0x1  }
0x9c: {  	s7 =	simm.s32 $_scs_section_size  }
0x9d: {  	s8 =	simm.s32 $_size__tile_overlayer_lowered;
	s9 =	simm.s32 $_tile_overlayer_lowered  }
0x9e: {  	s23 =	simm.s32 $0x1BFF;
	s22 =	sshll.u32 s9, $0x1;
	s6 =	sadd.s32 s7, s20  }
0x9f: {  	s10 =	simm.s32 $0x0;
	s21 =	sshll.u32 s8, $0x1;
	s8 =	sadd.s32 s22, s6  }
0xa0: {  	[timem:s10], [sflag:s23] =	dma.local [hbm:s8], s21  }
0xa1: {  	_ =	swait.ge [sflag:s23], s21  }
0xa2: {  	s7 =	ssub.s32 $0x0, s21;
	[sflag:s23] =	ssyncset.done $0x0  }
0xa3: {  	[sflag:s23] =	ssyncadd.s32 s7;
	_ =	sdelay $0x1  }
0xa4: {  	s24 =	simm.s32 $0x1B8B  }
0xa5: {  	_ =	swait.ge [sflag:s24], $0x1  }
0xa6: {  	[sflag:s24] =	ssyncset.done $0x0  }
0xa7: {  	s25 =	simm.s32 $0x1B8E;
	[sflag:s24] =	ssyncadd.s32 $0xFFFFFFFF  }
0xa8: {  	s26 =	simm.s32 $execute0_lowered;
	[smem:$0x3FD2] =	sst s25  }
0xa9: {  	s7 =	sshll.u32 s26, $0x1;
	_ =	strace $0x80000046;
	[dreg:$0x1] =	wrdreg $0xFFFFFFFF  }
0xaa: {  	s28 =	simm.s32 $_size_execute0_lowered;
	s6 =	sadd.s32 s6, s7;
	[dreg:$0x0] =	wrdreg $0x0  }
0xab: {  	s7 =	sshll.u32 s28, $0x1;
	[dreg:$0x2] =	wrdreg s6  }
0xac: {  	[dreg:$0x3] =	wrdreg s7  }
0xad: {  	[dreg:$0x4] =	wrdreg $0xC0  }
0xae: {  	_ =	task [dreg:s10], $0x5FFFF  }
0xaf: {  	[dreg:$0x1] =	wrdreg $0xFFFFFFFF  }
0xb0: {  	[dreg:$0x0] =	wrdreg $0x60  }
0xb1: {  	[dreg:$0x2] =	wrdreg s2  }
0xb2: {  	[dreg:$0x3] =	wrdreg s19  }
0xb3: {  	[dreg:$0x4] =	wrdreg s4  }
0xb4: {  	[dreg:$0x5] =	wrdreg s5  }
0xb5: {  	[dreg:$0x6] =	wrdreg $0x12000  }
0xb6: {  	[dreg:$0x7] =	wrdreg $0x9  }
0xb7: {  	_ =	task.clear_ibuf [dreg:s10], $0x8FFFF;
	_ =	strace $0x90000046  }
0xb8: {  	s29 =	simm.s32 $0x9;
	_ =	strace $0x80000048  }
0xb9: {  	_ =	swait.ge [sflag:s29], $0x1  }
0xba: {  	[sflag:s29] =	ssyncadd.s32 $0xFFFFFFFF  }
0xbb: {  	_ =	strace $0x90000048  }
0xbc: {  	_ =	sfence  }
0xbd: {  	s30 =	sld [smem:$0x0];
	_ =	sdelay $0x2  }
0xbe: {  	s31 =	sshll.u32 s1, $0xD;
	s1 =	sshrl.u32 s1, $0x2  }
0xbf: {  	s3 =	sand.u32 $0x4000, s31;
	s1 =	sadd.s32 s1, s30  }
0xc0: {  	s0 =	sor.u32 s3, s0;
	s1 =	sshll.u32 s1, $0x11  }
0xc1: {  	s0 =	sor.u32 s1, s0  }
0xc2: {  	s0 =	sadd.s32 $0x8F2B, s0  }
0xc3: {  	[sflag:s0] =	ssyncadd.remote.s32 $0x1  }
0xc4: {  	_ =	sfence.sel $0xFFFF  }
0xc5: {  	[dreg:$0x0] =	wrdreg $0xFFFFFFFF;
	(pc) =	sbr.abs _section_cstart, $3  }
0xc6: {  	[dreg:$0x1] =	wrdreg $0xFFFFFFFF  }
0xc7: {  	_ =	task.clear_ibuf [dreg:s10], $0x2FFFF;
	_ =	strace $0x9FFFFFFF  }
0xc8: {  	(tm) =	ssettm $0x7FFFFFFF  }
0xc9: {  	_ =	shalt  }
tec
execute0_lowered:
.L_overlay_start_1:
0x0: {  	(tag) =	ssettag $0x1  }
0x1: {  	s3 =	rddreg [dreg:$0x0]  }
0x2: {  	s0 =	rddreg [dreg:$0x1]  }
0x3: {  	s20 =	rddreg [dreg:$0x2]  }
0x4: {  	s21 =	srdreg.scid;
	s4 =	rddreg [dreg:$0x3]  }
0x5: {  	s5 =	stileid.u32;
	s1 =	rddreg [dreg:$0x4];
	s2 =	simm.s32 $0x0  }
0x6: {  	s9 =	simm.s32 $0x1;
	s10 =	simm.s32 $0x40;
	s11 =	simm.s32 $0x1460  }
0x7: {  	s12 =	simm.s32 $0x12A0;
	s13 =	simm.s32 $0x3460;
	s14 =	simm.s32 $0x12E0  }
0x8: {  	s15 =	simm.s32 $0x5460;
	s16 =	simm.s32 $0x1320;
	s17 =	simm.s32 $0x7460  }
0x9: {  	s18 =	simm.s32 $0x1360;
	s19 =	simm.s32 $0x9460;
	[dreg:$0x6] =	wrdreg s0  }
0xa: {  	s28 =	simm.s32 $0x5;
	[dreg:$0x7] =	wrdreg s20;
	s6 =	sand.u32 $0x1, s21  }
0xb: {  	s7 =	sshll.u32 s5, $0xA;
	s0 =	rddreg [dreg:$0x5];
	s8 =	sshll.u32 s6, $0x9  }
0xc: {  	s29 =	simm.s32 $0x6;
	[smem:$0x7FF] =	sst s2;
	s7 =	sor.u32 s8, s7  }
0xd: {  	p0 =	sne.s32 s5, $0x0;
	s8 =	sshrl.u32 s7, $0x3;
	s7 =	sshll.u32 s7, $0x4  }
0xe: {  	s5 =	simm.s32 $0x1260;
	s8 =	sadd.s32 s3, s8;
	s3 =	sadd.s32 s4, s7  }
0xf: {  	_ =	strace $0x80000047;
	[dreg:$0x8] =	wrdreg s8;
	s4 =	sadd.s32 $0x400, s3  }
0x10: {  	s20 =	simm.s32 $0x13A0;
	s22 =	sadd.s32 $0x800, s3;
	[dreg:$0x9] =	wrdreg s4  }
0x11: {  	s21 =	simm.s32 $0xB460;
	s23 =	sadd.s32 $0xC00, s3;
	[dreg:$0xa] =	wrdreg s22  }
0x12: {  	s6 =	ssub.s32 $0x2, s6;
	s24 =	sadd.s32 $0x1000, s3;
	[dreg:$0xb] =	wrdreg s23  }
0x13: {  	s26 =	sshrl.u32 s6, $0x1;
	s25 =	sadd.s32 $0x1400, s3;
	[dreg:$0xc] =	wrdreg s24  }
0x14: {  	s6 =	ssub.s32 s6, s26;
	s30 =	sadd.s32 $0x1800, s3;
	[dreg:$0xd] =	wrdreg s25  }
0x15: {  	s26 =	simm.s32 $0x4;
	s31 =	sadd.s32 $0x1C00, s3;
	[dreg:$0xe] =	wrdreg s30  }
0x16: {  	s7 =	simm.s32 $0x2;
	s8 =	simm.s32 $0x3;
	[dreg:$0xf] =	wrdreg s31  }
0x17: {  	s4 =	smax.u32 s6, $0x1;
	s6 =	simm.s32 $0x800;
	s22 =	simm.s32 $0x13E0  }
0x18: {  	s23 =	simm.s32 $0xD460;
	s24 =	simm.s32 $0x1420;
	s25 =	simm.s32 $0xF460  }
.LBB2_1:
0x19: {  	s30 =	rddreg [dreg:$0x8]  }
0x1a: {  	[tilespmem:s5], [sflag:$0x1] =	stream.linear.gather [hbm4b:s30+s2], $0x200, $0x38;
	[tilespmem:$0x11460] =	vst v63  }
0x1b: {  	s31 =	rddreg [dreg:$0x6]  }
0x1c: {  	[tilespmem:s2], [sflag:$0x2] =	stream.linear.gather [hbm4b:s31+s2], $0x600, $0x38;
	[tilespmem:$0x11460] =	vst v63  }
0x1d: {  	s30 =	rddreg [dreg:$0x7]  }
0x1e: {  	[tilespmem:s6], [sflag:$0x3] =	stream.linear.gather [hbm4b:s30+s2], $0x200, $0x38;
	[tilespmem:$0x11460] =	vst v63  }
0x1f: {  	_ =	swait.ge [sflag:s7], $0x600  }
0x20: {  	[sflag:s7] =	ssyncset.done $0x0  }
0x21: {  	[sflag:s7] =	ssyncadd.s32 $0xFFFFFA00  }
0x22: {  	_ =	swait.ge [sflag:s8], $0x200  }
0x23: {  	[sflag:s8] =	ssyncset.done $0x0  }
0x24: {  	[sflag:s8] =	ssyncadd.s32 $0xFFFFFE00  }
0x25: {  	v0 =	vld [tilespmem:$0x0]  }
0x26: {  	v1 =	vld [tilespmem:$0x800]  }
0x27: {  	v2 =	vld [tilespmem:$0x10]  }
0x28: {  	v3 =	vld [tilespmem:$0x810]  }
0x29: {  	v4 =	vld [tilespmem:$0x20]  }
0x2a: {  	v29 =	vld [tilespmem:$0x820];
	[tilespmem:$0xA00] =	vst v0  }
0x2b: {  	v30 =	vld [tilespmem:$0x30];
	[tilespmem:$0xA40] =	vst v1  }
0x2c: {  	v31 =	vld [tilespmem:$0x830];
	[tilespmem:$0xA10] =	vst v2  }
0x2d: {  	v32 =	vld [tilespmem:$0x80];
	[tilespmem:$0xA50] =	vst v3  }
0x2e: {  	v33 =	vld [tilespmem:$0x800];
	[tilespmem:$0xA20] =	vst v4  }
0x2f: {  	v34 =	vld [tilespmem:$0x90];
	[tilespmem:$0xA60] =	vst v29  }
0x30: {  	v35 =	vld [tilespmem:$0x810];
	[tilespmem:$0xA30] =	vst v30  }
0x31: {  	v36 =	vld [tilespmem:$0xA0];
	[tilespmem:$0xA70] =	vst v31  }
0x32: {  	v37 =	vld [tilespmem:$0x820];
	[tilespmem:$0xA80] =	vst v32  }
0x33: {  	v38 =	vld [tilespmem:$0xB0];
	[tilespmem:$0xAC0] =	vst v33  }
0x34: {  	v39 =	vld [tilespmem:$0x830];
	[tilespmem:$0xA90] =	vst v34  }
0x35: {  	v40 =	vld [tilespmem:$0x100];
	[tilespmem:$0xAD0] =	vst v35  }
0x36: {  	v41 =	vld [tilespmem:$0x880];
	[tilespmem:$0xAA0] =	vst v36  }
0x37: {  	v42 =	vld [tilespmem:$0x110];
	[tilespmem:$0xAE0] =	vst v37  }
0x38: {  	v43 =	vld [tilespmem:$0x890];
	[tilespmem:$0xAB0] =	vst v38  }
0x39: {  	v44 =	vld [tilespmem:$0x120];
	[tilespmem:$0xAF0] =	vst v39  }
0x3a: {  	v45 =	vld [tilespmem:$0x8A0];
	[tilespmem:$0xB00] =	vst v40  }
0x3b: {  	v46 =	vld [tilespmem:$0x130];
	[tilespmem:$0xB40] =	vst v41  }
0x3c: {  	v47 =	vld [tilespmem:$0x8B0];
	[tilespmem:$0xB10] =	vst v42  }
0x3d: {  	v48 =	vld [tilespmem:$0x180];
	[tilespmem:$0xB50] =	vst v43  }
0x3e: {  	v49 =	vld [tilespmem:$0x880];
	[tilespmem:$0xB20] =	vst v44  }
0x3f: {  	v50 =	vld [tilespmem:$0x190];
	[tilespmem:$0xB60] =	vst v45  }
0x40: {  	v51 =	vld [tilespmem:$0x890];
	[tilespmem:$0xB30] =	vst v46  }
0x41: {  	v52 =	vld [tilespmem:$0x1A0];
	[tilespmem:$0xB70] =	vst v47  }
0x42: {  	v53 =	vld [tilespmem:$0x8A0];
	[tilespmem:$0xB80] =	vst v48  }
0x43: {  	v54 =	vld [tilespmem:$0x1B0];
	[tilespmem:$0xBC0] =	vst v49  }
0x44: {  	v55 =	vld [tilespmem:$0x8B0];
	[tilespmem:$0xB90] =	vst v50  }
0x45: {  	v56 =	vld [tilespmem:$0x200];
	[tilespmem:$0xBD0] =	vst v51  }
0x46: {  	v57 =	vld [tilespmem:$0x880];
	[tilespmem:$0xBA0] =	vst v52  }
0x47: {  	v58 =	vld [tilespmem:$0x210];
	[tilespmem:$0xBE0] =	vst v53  }
0x48: {  	v59 =	vld [tilespmem:$0x890];
	[tilespmem:$0xBB0] =	vst v54  }
0x49: {  	v60 =	vld [tilespmem:$0x220];
	[tilespmem:$0xBF0] =	vst v55  }
0x4a: {  	v61 =	vld [tilespmem:$0x8A0];
	[tilespmem:$0xC00] =	vst v56  }
0x4b: {  	v62 =	vld [tilespmem:$0x230];
	[tilespmem:$0xC40] =	vst v57  }
0x4c: {  	v63 =	vld [tilespmem:$0x8B0];
	[tilespmem:$0xC10] =	vst v58  }
0x4d: {  	v8 =	vld [tilespmem:$0x280];
	[tilespmem:$0xC50] =	vst v59  }
0x4e: {  	v9 =	vld [tilespmem:$0x900];
	[tilespmem:$0xC20] =	vst v60  }
0x4f: {  	v10 =	vld [tilespmem:$0x290];
	[tilespmem:$0xC60] =	vst v61  }
0x50: {  	v11 =	vld [tilespmem:$0x910];
	[tilespmem:$0xC30] =	vst v62  }
0x51: {  	v12 =	vld [tilespmem:$0x2A0];
	[tilespmem:$0xC70] =	vst v63  }
0x52: {  	v13 =	vld [tilespmem:$0x920];
	[tilespmem:$0xC80] =	vst v8  }
0x53: {  	v14 =	vld [tilespmem:$0x2B0];
	[tilespmem:$0xCC0] =	vst v9  }
0x54: {  	v15 =	vld [tilespmem:$0x930];
	[tilespmem:$0xC90] =	vst v10  }
0x55: {  	v16 =	vld [tilespmem:$0x300];
	[tilespmem:$0xCD0] =	vst v11  }
0x56: {  	v17 =	vld [tilespmem:$0x900];
	[tilespmem:$0xCA0] =	vst v12  }
0x57: {  	v18 =	vld [tilespmem:$0x310];
	[tilespmem:$0xCE0] =	vst v13  }
0x58: {  	v19 =	vld [tilespmem:$0x910];
	[tilespmem:$0xCB0] =	vst v14  }
0x59: {  	v20 =	vld [tilespmem:$0x320];
	[tilespmem:$0xCF0] =	vst v15  }
0x5a: {  	v21 =	vld [tilespmem:$0x920];
	[tilespmem:$0xD00] =	vst v16  }
0x5b: {  	v22 =	vld [tilespmem:$0x330];
	[tilespmem:$0xD40] =	vst v17  }
0x5c: {  	v23 =	vld [tilespmem:$0x930];
	[tilespmem:$0xD10] =	vst v18  }
0x5d: {  	v24 =	vld [tilespmem:$0x380];
	[tilespmem:$0xD50] =	vst v19  }
0x5e: {  	v25 =	vld [tilespmem:$0x900];
	[tilespmem:$0xD20] =	vst v20  }
0x5f: {  	v26 =	vld [tilespmem:$0x390];
	[tilespmem:$0xD60] =	vst v21  }
0x60: {  	v27 =	vld [tilespmem:$0x910];
	[tilespmem:$0xD30] =	vst v22  }
0x61: {  	v28 =	vld [tilespmem:$0x3A0];
	[tilespmem:$0xD70] =	vst v23  }
0x62: {  	[tilespmem:$0xD80] =	vst v24;
	v29 =	vld [tilespmem:$0x920]  }
0x63: {  	[tilespmem:$0xDC0] =	vst v25;
	v30 =	vld [tilespmem:$0x3B0]  }
0x64: {  	[tilespmem:$0xD90] =	vst v26;
	v31 =	vld [tilespmem:$0x930]  }
0x65: {  	[tilespmem:$0xDD0] =	vst v27;
	v32 =	vld [tilespmem:$0x400]  }
0x66: {  	[tilespmem:$0xDA0] =	vst v28;
	v33 =	vld [tilespmem:$0x980]  }
0x67: {  	v34 =	vld [tilespmem:$0x410];
	[tilespmem:$0xDE0] =	vst v29  }
0x68: {  	v35 =	vld [tilespmem:$0x990];
	[tilespmem:$0xDB0] =	vst v30  }
0x69: {  	v36 =	vld [tilespmem:$0x420];
	[tilespmem:$0xDF0] =	vst v31  }
0x6a: {  	v37 =	vld [tilespmem:$0x9A0];
	[tilespmem:$0xE00] =	vst v32  }
0x6b: {  	v38 =	vld [tilespmem:$0x430];
	[tilespmem:$0xE40] =	vst v33  }
0x6c: {  	v39 =	vld [tilespmem:$0x9B0];
	[tilespmem:$0xE10] =	vst v34  }
0x6d: {  	v40 =	vld [tilespmem:$0x480];
	[tilespmem:$0xE50] =	vst v35  }
0x6e: {  	v41 =	vld [tilespmem:$0x980];
	[tilespmem:$0xE20] =	vst v36  }
0x6f: {  	v42 =	vld [tilespmem:$0x490];
	[tilespmem:$0xE60] =	vst v37  }
0x70: {  	v43 =	vld [tilespmem:$0x990];
	[tilespmem:$0xE30] =	vst v38  }
0x71: {  	v44 =	vld [tilespmem:$0x4A0];
	[tilespmem:$0xE70] =	vst v39  }
0x72: {  	v45 =	vld [tilespmem:$0x9A0];
	[tilespmem:$0xE80] =	vst v40  }
0x73: {  	v46 =	vld [tilespmem:$0x4B0];
	[tilespmem:$0xEC0] =	vst v41  }
0x74: {  	v47 =	vld [tilespmem:$0x9B0];
	[tilespmem:$0xE90] =	vst v42  }
0x75: {  	v48 =	vld [tilespmem:$0x500];
	[tilespmem:$0xED0] =	vst v43  }
0x76: {  	v49 =	vld [tilespmem:$0x980];
	[tilespmem:$0xEA0] =	vst v44  }
0x77: {  	v50 =	vld [tilespmem:$0x510];
	[tilespmem:$0xEE0] =	vst v45  }
0x78: {  	v51 =	vld [tilespmem:$0x990];
	[tilespmem:$0xEB0] =	vst v46  }
0x79: {  	v52 =	vld [tilespmem:$0x520];
	[tilespmem:$0xEF0] =	vst v47  }
0x7a: {  	v53 =	vld [tilespmem:$0x9A0];
	[tilespmem:$0xF00] =	vst v48  }
0x7b: {  	v54 =	vld [tilespmem:$0x530];
	[tilespmem:$0xF40] =	vst v49  }
0x7c: {  	v55 =	vld [tilespmem:$0x9B0];
	[tilespmem:$0xF10] =	vst v50  }
0x7d: {  	v56 =	vld [tilespmem:$0x580];
	[tilespmem:$0xF50] =	vst v51  }
0x7e: {  	v57 =	vld [tilespmem:$0x800];
	[tilespmem:$0xF20] =	vst v52  }
0x7f: {  	v58 =	vld [tilespmem:$0x590];
	[tilespmem:$0xF60] =	vst v53  }
0x80: {  	v59 =	vld [tilespmem:$0x810];
	[tilespmem:$0xF30] =	vst v54  }
0x81: {  	v60 =	vld [tilespmem:$0x5A0];
	[tilespmem:$0xF70] =	vst v55  }
0x82: {  	v61 =	vld [tilespmem:$0x820];
	[tilespmem:$0xF80] =	vst v56  }
0x83: {  	v62 =	vld [tilespmem:$0x5B0];
	[tilespmem:$0xFC0] =	vst v57  }
0x84: {  	v63 =	vld [tilespmem:$0x830];
	[tilespmem:$0xF90] =	vst v58  }
0x85: {  	[tilespmem:$0xFD0] =	vst v59  }
0x86: {  	[tilespmem:$0xFA0] =	vst v60  }
0x87: {  	[tilespmem:$0xFE0] =	vst v61  }
0x88: {  	[tilespmem:$0xFB0] =	vst v62  }
0x89: {  	s30 =	simm.s32 @!p0 $0xA00;
	[tilespmem:$0xFF0] =	vst v63  }
0x8a: {  	[spmem:s1] =	stream.linear.scatter @!p0 [tilespmem:s30], [sflag:$0x7], $0x600, $0x38;
	[tilespmem:$0x11460] =	vst v63  }
0x8b: {  	s30 =	simm.s32 @!p0 $0x7  }
0x8c: {  	_ =	swait.ge @!p0 [sflag:s30], $0x600  }
0x8d: {  	[sflag:s30] =	ssyncset.done @!p0 $0x0  }
0x8e: {  	[sflag:s30] =	ssyncadd.s32 @!p0 $0xFFFFFA00  }
0x8f: {  	[bflag:$0x0] =	sbarrier.arrive $0xFFFF  }
0x90: {  	_ =	swait.ge [sflag:s9], $0x200  }
0x91: {  	[sflag:s9] =	ssyncset.done $0x0  }
0x92: {  	[sflag:s9] =	ssyncadd.s32 $0xFFFFFE00  }
0x93: {  	[tilespmem:s11], [sflag:$0x4] =	stream.indirect.gather [spmem:s1], $0x80, s5, s10, $0xb8;
	[tilespmem:$0x11460] =	vst v63  }
0x94: {  	_ = 	snop  }
0x95: {  	[tilespmem:s13], [sflag:$0x4] =	stream.indirect.gather [spmem:s1], $0x80, s12, s10, $0xb8;
	[tilespmem:$0x11460] =	vst v63  }
0x96: {  	_ = 	snop  }
0x97: {  	[tilespmem:s15], [sflag:$0x4] =	stream.indirect.gather [spmem:s1], $0x80, s14, s10, $0xb8;
	[tilespmem:$0x11460] =	vst v63  }
0x98: {  	_ = 	snop  }
0x99: {  	[tilespmem:s17], [sflag:$0x4] =	stream.indirect.gather [spmem:s1], $0x80, s16, s10, $0xb8;
	[tilespmem:$0x11460] =	vst v63  }
0x9a: {  	_ = 	snop  }
0x9b: {  	[tilespmem:s19], [sflag:$0x5] =	stream.indirect.gather [spmem:s1], $0x80, s18, s10, $0xb8;
	[tilespmem:$0x11460] =	vst v63  }
0x9c: {  	_ = 	snop  }
0x9d: {  	[tilespmem:s21], [sflag:$0x5] =	stream.indirect.gather [spmem:s1], $0x80, s20, s10, $0xb8;
	[tilespmem:$0x11460] =	vst v63  }
0x9e: {  	_ = 	snop  }
0x9f: {  	[tilespmem:s23], [sflag:$0x5] =	stream.indirect.gather [spmem:s1], $0x80, s22, s10, $0xb8;
	[tilespmem:$0x11460] =	vst v63  }
0xa0: {  	_ = 	snop  }
0xa1: {  	[tilespmem:s25], [sflag:$0x5] =	stream.indirect.gather [spmem:s1], $0x80, s24, s10, $0xb8;
	[tilespmem:$0x11460] =	vst v63  }
0xa2: {  	_ =	swait.ge [sflag:s26], $0x2000  }
0xa3: {  	[sflag:s26] =	ssyncset.done $0x0  }
0xa4: {  	[sflag:s26] =	ssyncadd.s32 $0xFFFFE000  }
0xa5: {  	_ =	swait.ge [sflag:s26], $0x2000  }
0xa6: {  	[sflag:s26] =	ssyncset.done $0x0  }
0xa7: {  	[sflag:s26] =	ssyncadd.s32 $0xFFFFE000  }
0xa8: {  	_ =	swait.ge [sflag:s26], $0x2000  }
0xa9: {  	[sflag:s26] =	ssyncset.done $0x0  }
0xaa: {  	[sflag:s26] =	ssyncadd.s32 $0xFFFFE000  }
0xab: {  	_ =	swait.ge [sflag:s26], $0x2000  }
0xac: {  	[sflag:s26] =	ssyncset.done $0x0  }
0xad: {  	[sflag:s26] =	ssyncadd.s32 $0xFFFFE000  }
0xae: {  	[hbm4b:s3+s2] =	stream.linear.scatter [tilespmem:s11], [sflag:$0x6], $0x2000, $0x38;
	[tilespmem:$0x11460] =	vst v63  }
0xaf: {  	s30 =	rddreg [dreg:$0x9]  }
0xb0: {  	[hbm4b:s30+s2] =	stream.linear.scatter [tilespmem:s13], [sflag:$0x6], $0x2000, $0x38;
	[tilespmem:$0x11460] =	vst v63  }
0xb1: {  	s31 =	rddreg [dreg:$0xa]  }
0xb2: {  	[hbm4b:s31+s2] =	stream.linear.scatter [tilespmem:s15], [sflag:$0x6], $0x2000, $0x38;
	[tilespmem:$0x11460] =	vst v63  }
0xb3: {  	s30 =	rddreg [dreg:$0xb]  }
0xb4: {  	[hbm4b:s30+s2] =	stream.linear.scatter [tilespmem:s17], [sflag:$0x6], $0x2000, $0x38;
	[tilespmem:$0x11460] =	vst v63  }
0xb5: {  	_ =	swait.ge [sflag:s28], $0x2000  }
0xb6: {  	[sflag:s28] =	ssyncset.done $0x0  }
0xb7: {  	[sflag:s28] =	ssyncadd.s32 $0xFFFFE000  }
0xb8: {  	_ =	swait.ge [sflag:s28], $0x2000  }
0xb9: {  	[sflag:s28] =	ssyncset.done $0x0  }
0xba: {  	[sflag:s28] =	ssyncadd.s32 $0xFFFFE000  }
0xbb: {  	_ =	swait.ge [sflag:s28], $0x2000  }
0xbc: {  	[sflag:s28] =	ssyncset.done $0x0  }
0xbd: {  	[sflag:s28] =	ssyncadd.s32 $0xFFFFE000  }
0xbe: {  	_ =	swait.ge [sflag:s28], $0x2000  }
0xbf: {  	[sflag:s28] =	ssyncset.done $0x0  }
0xc0: {  	s30 =	rddreg [dreg:$0xc];
	[sflag:s28] =	ssyncadd.s32 $0xFFFFE000  }
0xc1: {  	[hbm4b:s30+s2] =	stream.linear.scatter [tilespmem:s19], [sflag:$0x6], $0x2000, $0x38;
	[tilespmem:$0x11460] =	vst v63  }
0xc2: {  	s31 =	rddreg [dreg:$0xd]  }
0xc3: {  	[hbm4b:s31+s2] =	stream.linear.scatter [tilespmem:s21], [sflag:$0x6], $0x2000, $0x38;
	[tilespmem:$0x11460] =	vst v63  }
0xc4: {  	s30 =	rddreg [dreg:$0xe]  }
0xc5: {  	[hbm4b:s30+s2] =	stream.linear.scatter [tilespmem:s23], [sflag:$0x6], $0x2000, $0x38;
	[tilespmem:$0x11460] =	vst v63  }
0xc6: {  	s31 =	rddreg [dreg:$0xf]  }
0xc7: {  	[hbm4b:s31+s2] =	stream.linear.scatter [tilespmem:s25], [sflag:$0x6], $0x2000, $0x38;
	[tilespmem:$0x11460] =	vst v63  }
0xc8: {  	_ =	swait.ge [sflag:s29], $0x2000  }
0xc9: {  	[sflag:s29] =	ssyncset.done $0x0  }
0xca: {  	[sflag:s29] =	ssyncadd.s32 $0xFFFFE000  }
0xcb: {  	_ =	swait.ge [sflag:s29], $0x2000  }
0xcc: {  	[sflag:s29] =	ssyncset.done $0x0  }
0xcd: {  	[sflag:s29] =	ssyncadd.s32 $0xFFFFE000  }
0xce: {  	_ =	swait.ge [sflag:s29], $0x2000  }
0xcf: {  	[sflag:s29] =	ssyncset.done $0x0  }
0xd0: {  	[sflag:s29] =	ssyncadd.s32 $0xFFFFE000  }
0xd1: {  	_ =	swait.ge [sflag:s29], $0x2000  }
0xd2: {  	[sflag:s29] =	ssyncset.done $0x0  }
0xd3: {  	[sflag:s29] =	ssyncadd.s32 $0xFFFFE000  }
0xd4: {  	_ =	swait.ge [sflag:s29], $0x2000  }
0xd5: {  	[sflag:s29] =	ssyncset.done $0x0  }
0xd6: {  	[sflag:s29] =	ssyncadd.s32 $0xFFFFE000  }
0xd7: {  	_ =	swait.ge [sflag:s29], $0x2000  }
0xd8: {  	[sflag:s29] =	ssyncset.done $0x0  }
0xd9: {  	s4 =	sadd.s32 $0xFFFFFFFF, s4;
	[sflag:s29] =	ssyncadd.s32 $0xFFFFE000  }
0xda: {  	p1 =	sne.s32 s4, $0x0;
	_ =	swait.ge [sflag:s29], $0x2000  }
.Ltmp0:
0xdb: {  	[sflag:s29] =	ssyncset.done $0x0;
	(pc) =	sbr.rel @p1 .LBB2_1-.Ltmp0, $4  }
0xdc: {  	[sflag:s29] =	ssyncadd.s32 $0xFFFFE000  }
0xdd: {  	_ =	swait.ge [sflag:s29], $0x2000  }
0xde: {  	[sflag:s29] =	ssyncset.done $0x0  }
0xdf: {  	[sflag:s29] =	ssyncadd.s32 $0xFFFFE000  }
0xe0: {  	_ =	sfence.sel $0x180000  }
0xe1: {  	[bflag:$0x0] =	sbarrier.arrive $0xFFFF  }
0xe2: {  	_ =	strace $0x90000047  }
0xe3: {  	s0 =	sadd.s32 @!p0 $0x100000, s0;
	[bflag:$0x2] =	sbarrier.arrive $0xFFFF  }
0xe4: {  	[sflag:s0] =	ssyncadd.tile.s32 @!p0 $0x1;
	_ =	shalt  }
.Lfunc_end2:
_tile_overlayer_lowered:
.L_overlay_start_2:
0xe5: {  	(tag) =	ssettag $0x2  }
0xe6: {  	s0 =	rddreg [dreg:$0x0];
	s2 =	stileid.u32  }
0xe7: {  	s1 =	rddreg [dreg:$0x1];
	p0 =	sne.s32 s2, $0x0  }
0xe8: {  	s3 =	rddreg [dreg:$0x2];
	[bflag:$0x3] =	sbarrier.arrive $0xFFFF;
	s2 =	simm.s32 @!p0 $0x1C07  }
0xe9: {  	[timem:s3], [sflag:s2] =	dma.local @!p0 [hbm:s0], s1  }
0xea: {  	s0 =	simm.s32 @!p0 $0x7  }
0xeb: {  	_ =	swait.ge @!p0 [sflag:s0], s1  }
0xec: {  	s1 =	ssub.s32 @!p0 $0x0, s1;
	[sflag:s0] =	ssyncset.done @!p0 $0x0  }
0xed: {  	[sflag:s0] =	ssyncadd.s32 @!p0 s1  }
0xee: {  	[bflag:$0x3] =	sbarrier.arrive $0xFFFF  }
0xef: {  	_ =	shalt  }

</sc_bundles>
